<compile_context>
chip_gen: v7x
topology: tpu7x:2x2x1
jax: 0.10.2.dev20260603
libtpu: 0.0.44.dev20260713+nightly
codegen_flags: <defaults>
</compile_context>

<pallas_src>
import functools

import jax
import jax.numpy as jnp
from jax import lax
from jax.experimental import pallas as pl
from jax.experimental.pallas import tpu as pltpu
from jax.experimental.pallas import tpu_sc as plsc
from jax.scipy.linalg import block_diag

N_NODES = 10000
N_EDGES = 160000
IN_DIM = 32
OUT_DIM = 32
EDGE_DIM = 16
INNER_DIM = 64

NC = 2
NS = 16
NW = NC * NS
CH = 125
NCH = 40
EPW = NCH * CH
NP = 10240
RPT = NP // NS

BE = 1600
BE4 = BE // 4
HALF = EPW // 2
KF = HALF // CH

_mesh = plsc.VectorSubcoreMesh(core_axis_name="c", subcore_axis_name="s")


@functools.partial(
    pl.kernel,
    out_type=jax.ShapeDtypeStruct((N_EDGES, IN_DIM), jnp.float32),
    mesh=_mesh,
    scratch_types=[
        pltpu.VMEM((NCH, CH), jnp.int32),
        pltpu.VMEM((HALF, IN_DIM), jnp.float32),
        pltpu.SemaphoreType.DMA,
    ],
    compiler_params=pltpu.CompilerParams(use_tc_tiling_on_sc=False),
)
def _sc_gather(x_hbm, src_hbm, xj_hbm, idx_v, rows_v, sem):
    wid = lax.axis_index("s") * NC + lax.axis_index("c")
    base = wid * EPW
    pltpu.sync_copy(src_hbm.at[wid], idx_v)

    def half_step(h, carry):
        descs = []
        for t in range(KF):
            descs.append(pltpu.async_copy(
                x_hbm.at[idx_v.at[h * KF + t]],
                rows_v.at[pl.ds(t * CH, CH)], sem))
        for d in descs:
            d.wait()
        pltpu.sync_copy(rows_v, xj_hbm.at[pl.ds(base + h * HALF, HALF)])
        return carry

    lax.fori_loop(0, EPW // HALF, half_step, 0)


@functools.partial(
    pl.kernel,
    out_type=jax.ShapeDtypeStruct((NC, NP, OUT_DIM), jnp.float32),
    mesh=_mesh,
    scratch_types=[
        pltpu.VMEM((NCH, CH), jnp.int32),
        pltpu.VMEM((HALF, OUT_DIM), jnp.float32),
        pltpu.VMEM_SHARED((NP, OUT_DIM), jnp.float32),
        pltpu.SemaphoreType.DMA,
    ],
    compiler_params=pltpu.CompilerParams(use_tc_tiling_on_sc=False),
)
def _sc_scatter(m_hbm, dst_hbm, zero_hbm, agg_hbm, idx_v, rows_v, shared, sem):
    cid = lax.axis_index("c")
    sid = lax.axis_index("s")
    wid = sid * NC + cid
    base = wid * EPW
    r0 = sid * RPT
    pltpu.sync_copy(zero_hbm.at[pl.ds(r0, RPT)], shared.at[pl.ds(r0, RPT)])
    pltpu.sync_copy(dst_hbm.at[wid], idx_v)
    plsc.subcore_barrier()

    def half_step(h, carry):
        pltpu.sync_copy(m_hbm.at[pl.ds(base + h * HALF, HALF)], rows_v)
        descs = []
        for t in range(KF):
            descs.append(pltpu.async_copy(
                rows_v.at[pl.ds(t * CH, CH)],
                shared.at[idx_v.at[h * KF + t]], sem, add=True))
        for d in descs:
            d.wait()
        return carry

    lax.fori_loop(0, EPW // HALF, half_step, 0)
    plsc.subcore_barrier()
    pltpu.sync_copy(shared.at[pl.ds(r0, RPT)], agg_hbm.at[cid, pl.ds(r0, RPT)])


def _tc_edge_body(edge_ref, xj_ref, w12_ref, r_ref, bc_ref, m_ref):
    xjb = xj_ref[...].astype(jnp.bfloat16)
    h2 = jnp.dot(edge_ref[...].astype(jnp.bfloat16), w12_ref[...],
                 preferred_element_type=jnp.float32)
    xju = jnp.dot(xjb, r_ref[...], preferred_element_type=jnp.float32)
    p = xju * h2
    w = IN_DIM * OUT_DIM
    while w > OUT_DIM:
        half = w // 2
        p = jnp.concatenate(
            [p[:, q * w:q * w + half] + p[:, q * w + half:(q + 1) * w]
             for q in range(4)], axis=1)
        w = half
    m_ref[...] = p + jnp.dot(xjb, bc_ref[...],
                             preferred_element_type=jnp.float32)


def _tc_final_body(a0_ref, a1_ref, x_ref, root_ref, bias_ref, o_ref):
    xr = jnp.dot(x_ref[...], root_ref[...], preferred_element_type=jnp.float32)
    acc = a0_ref[...] + a1_ref[...] + xr + bias_ref[...]
    o_ref[...] = jnp.maximum(acc, 0.0)


def kernel(x, adj, edge, W1, b1, W2, b2, root, bias):
    src_p = adj[0].astype(jnp.int32).reshape(NW, NCH, CH)
    dst_p = adj[1].astype(jnp.int32).reshape(NW, NCH, CH)

    xj4 = _sc_gather(x, src_p).reshape(N_EDGES // 4, 4 * IN_DIM)

    w12 = jnp.dot(W1, W2).astype(jnp.bfloat16)
    w12_bd = block_diag(w12, w12, w12, w12)
    r_mat = jnp.repeat(jnp.eye(IN_DIM, dtype=jnp.bfloat16), OUT_DIM, axis=1)
    r_bd = block_diag(r_mat, r_mat, r_mat, r_mat)
    bc = (jnp.dot(b1, W2) + b2).reshape(IN_DIM, OUT_DIM).astype(jnp.bfloat16)
    bc_bd = block_diag(bc, bc, bc, bc)
    edge4 = edge.reshape(N_EDGES // 4, 4 * EDGE_DIM)

    m4 = pl.pallas_call(
        _tc_edge_body,
        grid=(N_EDGES // BE,),
        in_specs=[
            pl.BlockSpec((BE4, 4 * EDGE_DIM), lambda i: (i, 0)),
            pl.BlockSpec((BE4, 4 * IN_DIM), lambda i: (i, 0)),
            pl.BlockSpec((4 * EDGE_DIM, 4 * IN_DIM * OUT_DIM),
                         lambda i: (0, 0)),
            pl.BlockSpec((4 * IN_DIM, 4 * IN_DIM * OUT_DIM), lambda i: (0, 0)),
            pl.BlockSpec((4 * IN_DIM, 4 * OUT_DIM), lambda i: (0, 0)),
        ],
        out_specs=pl.BlockSpec((BE4, 4 * OUT_DIM), lambda i: (i, 0)),
        out_shape=jax.ShapeDtypeStruct((N_EDGES // 4, 4 * OUT_DIM),
                                       jnp.float32),
    )(edge4, xj4, w12_bd, r_bd, bc_bd)

    agg = _sc_scatter(m4.reshape(N_EDGES, OUT_DIM), dst_p,
                      jnp.zeros((NP, OUT_DIM), jnp.float32))

    out = pl.pallas_call(
        _tc_final_body,
        out_shape=jax.ShapeDtypeStruct((N_NODES, OUT_DIM), jnp.float32),
    )(agg[0, :N_NODES], agg[1, :N_NODES], x, root,
      bias.reshape(1, OUT_DIM))
    return out

# --- scband reference (transcript-rebuilt; emitter-appended) ---
"""Pipeline reference for scband-ecclayer-61306363183172 (READ-ONLY COPY).

The authoritative reference and input builder live on the scoring server;
editing this copy changes nothing except your own understanding.
"""

import jax, jax.numpy as jnp
import numpy as np

N_NODES = 10000
N_EDGES = 160000
IN_DIM = 32
OUT_DIM = 32
EDGE_DIM = 16
INNER_DIM = 64


def setup_inputs(seed: int = 0) -> dict:
    key = jax.random.key(seed)
    ks = jax.random.split(key, 10)
    x = jax.random.normal(ks[0], (N_NODES, IN_DIM), dtype=jnp.float32)
    adj = jax.random.randint(ks[1], (2, N_EDGES), 0, N_NODES, dtype=jnp.int64)
    edge = jax.random.normal(ks[2], (N_EDGES, EDGE_DIM), dtype=jnp.float32)
    # edge-network MLP: Linear(edge_dim -> inner_dim), Linear(inner_dim -> in*out)
    W1 = jax.random.normal(ks[3], (EDGE_DIM, INNER_DIM), dtype=jnp.float32) * (1.0 / np.sqrt(EDGE_DIM))
    b1 = jnp.zeros((INNER_DIM,), dtype=jnp.float32)
    W2 = jax.random.normal(ks[4], (INNER_DIM, IN_DIM * OUT_DIM), dtype=jnp.float32) * (1.0 / np.sqrt(INNER_DIM))
    b2 = jnp.zeros((IN_DIM * OUT_DIM,), dtype=jnp.float32)
    # NNConv root linear (no bias) and output bias
    root = jax.random.normal(ks[5], (IN_DIM, OUT_DIM), dtype=jnp.float32) * (1.0 / np.sqrt(IN_DIM))
    bias = jnp.zeros((OUT_DIM,), dtype=jnp.float32)
    return {"x": x, "adj": adj, "edge": edge, "W1": W1, "b1": b1, "W2": W2, "b2": b2, "root": root, "bias": bias}


def reference(x, adj, edge, W1, b1, W2, b2, root, bias):
    # edge network: Sequential(Linear, Linear) -> per-edge weight matrices
    h = edge @ W1 + b1
    h = h @ W2 + b2                      # [E, in*out]
    We = h.reshape(-1, IN_DIM, OUT_DIM)  # [E, in, out]
    # NNConv message: x_j (source node feats) times per-edge weight
    src = adj[0]
    dst = adj[1]
    xj = jnp.take(x, src, axis=0)        # gather [E, in]
    m = jnp.einsum('ei,eio->eo', xj, We) # [E, out]
    # aggregate (aggr='add') at destination nodes
    agg = jax.ops.segment_sum(m, dst, num_segments=x.shape[0])  # scatter-add [N, out]
    out = agg + x @ root + bias
    return jax.nn.relu(out)

if __name__ == "__main__":
    import jax
    _d = setup_inputs()
    print(jax.jit(kernel)(*tuple(_d.values())))

</pallas_src>

<mosaic_0001>
#map = affine_map<(d0, d1) -> (0, 0)>
#map1 = affine_map<(d0, d1) -> (0, 0, 0)>
module attributes {stable_mosaic.version = 14 : i64} {
  func.func @_sc_gather(%arg0: i32, %arg1: i32, %arg2: memref<10000x32xf32, #tpu.memory_space<hbm>>, %arg3: memref<32x40x125xi32, #tpu.memory_space<hbm>>, %arg4: memref<160000x32xf32, #tpu.memory_space<hbm>>, %arg5: memref<40x125xi32, #tpu.memory_space<vmem>>, %arg6: memref<2500x32xf32, #tpu.memory_space<vmem>>, %arg7: memref<!tpu.dma_semaphore, #tpu.memory_space<semaphore_mem>>) attributes {dimension_semantics = [#tpu.dimension_semantics<core_parallel>, #tpu.dimension_semantics<subcore_parallel>], iteration_bounds = array<i64: 2, 16>, scalar_prefetch = 0 : i64, scratch_operands = 3 : i64, tpu.core_type = #tpu.core_type<sc_vector_subcore>, window_params = [{transform_indices = #map}, {transform_indices = #map1}, {transform_indices = #map}]} {
    %mul3A = arith.constant 2 : i32
    %mul3A_0 = arith.muli %arg1, %mul3A : i32
    %add3A = arith.addi %mul3A_0, %arg0 : i32
    %mul3A_1 = arith.constant 5000 : i32
    %mul3A_2 = arith.muli %add3A, %mul3A_1 : i32
    "tpu.region"() ({
      %run_scoped3A = tpu.sem_alloc : memref<!tpu.dma_semaphore, #tpu.memory_space<semaphore_mem>>
      %dma_start3A = arith.constant 0 : i32
      %dma_start3A_8 = arith.constant 0 : i32
      %dma_start3A_9 = tpu.memref_slice %arg3[%add3A, %dma_start3A, %dma_start3A_8] : memref<32x40x125xi32, #tpu.memory_space<hbm>> -> memref<1x40x125xi32, #tpu.memory_space<hbm>>
      %dma_start3A_10 = tpu.memref_squeeze %dma_start3A_9 : memref<1x40x125xi32, #tpu.memory_space<hbm>> -> memref<40x125xi32, #tpu.memory_space<hbm>>
      %dma_start3A_11 = arith.constant 0 : i32
      %dma_start3A_12 = arith.constant 0 : i32
      %dma_start3A_13 = tpu.memref_slice %arg3[%add3A, %dma_start3A_11, %dma_start3A_12] : memref<32x40x125xi32, #tpu.memory_space<hbm>> -> memref<1x40x125xi32, #tpu.memory_space<hbm>>
      %dma_start3A_14 = tpu.memref_squeeze %dma_start3A_13 : memref<1x40x125xi32, #tpu.memory_space<hbm>> -> memref<40x125xi32, #tpu.memory_space<hbm>>
      tpu.enqueue_dma source(%dma_start3A_14 : memref<40x125xi32, #tpu.memory_space<hbm>>) target(%arg5 : memref<40x125xi32, #tpu.memory_space<vmem>>) target_semaphore(%run_scoped3A : memref<!tpu.dma_semaphore, #tpu.memory_space<semaphore_mem>>)
      %dma_wait3A = arith.constant 0 : i32
      %dma_wait3A_15 = arith.constant 0 : i32
      %dma_wait3A_16 = tpu.memref_slice %arg3[%add3A, %dma_wait3A, %dma_wait3A_15] : memref<32x40x125xi32, #tpu.memory_space<hbm>> -> memref<1x40x125xi32, #tpu.memory_space<hbm>>
      %dma_wait3A_17 = tpu.memref_squeeze %dma_wait3A_16 : memref<1x40x125xi32, #tpu.memory_space<hbm>> -> memref<40x125xi32, #tpu.memory_space<hbm>>
      %dma_wait3A_18 = arith.constant 0 : i32
      %dma_wait3A_19 = arith.constant 0 : i32
      %dma_wait3A_20 = tpu.memref_slice %arg3[%add3A, %dma_wait3A_18, %dma_wait3A_19] : memref<32x40x125xi32, #tpu.memory_space<hbm>> -> memref<1x40x125xi32, #tpu.memory_space<hbm>>
      %dma_wait3A_21 = tpu.memref_squeeze %dma_wait3A_20 : memref<1x40x125xi32, #tpu.memory_space<hbm>> -> memref<40x125xi32, #tpu.memory_space<hbm>>
      tpu.wait_dma2 semaphore(%run_scoped3A : memref<!tpu.dma_semaphore, #tpu.memory_space<semaphore_mem>>) src(%dma_wait3A_21 : memref<40x125xi32, #tpu.memory_space<hbm>>) dst(%arg5 : memref<40x125xi32, #tpu.memory_space<vmem>>)
      tpu.yield
    }) : () -> ()
    %scan3A = arith.constant 0 : i32
    %scan3A_3 = arith.constant 0 : i32
    %scan3A_4 = arith.constant 2 : i32
    %scan3A_5 = arith.addi %scan3A_3, %scan3A_4 : i32
    %scan3A_6 = arith.constant 1 : i32
    scf.for %scan3A_8 = %scan3A_3 to %scan3A_5 step %scan3A_6  : i32 {
      %mul3A_9 = arith.constant 20 : i32
      %mul3A_10 = arith.muli %scan3A_8, %mul3A_9 : i32
      %add3A_11 = arith.constant 0 : i32
      %add3A_12 = arith.addi %mul3A_10, %add3A_11 : i32
      %dma_start3A = arith.constant 0 : i32
      %dma_start3A_13 = arith.constant 0 : i32
      %dma_start3A_14 = tpu.memref_slice %arg6[%dma_start3A, %dma_start3A_13] : memref<2500x32xf32, #tpu.memory_space<vmem>> -> memref<125x32xf32, #tpu.memory_space<vmem>>
      %dma_start3A_15 = arith.constant 0 : i32
      %dma_start3A_16 = tpu.memref_slice %arg5[%add3A_12, %dma_start3A_15] : memref<40x125xi32, #tpu.memory_space<vmem>> -> memref<1x125xi32, #tpu.memory_space<vmem>>
      %dma_start3A_17 = tpu.memref_squeeze %dma_start3A_16 : memref<1x125xi32, #tpu.memory_space<vmem>> -> memref<125xi32, #tpu.memory_space<vmem>>
      %dma_start3A_18 = arith.constant 0 : i32
      %dma_start3A_19 = arith.constant 0 : i32
      %dma_start3A_20 = tpu.memref_slice %arg2[%dma_start3A_18, %dma_start3A_19] : memref<10000x32xf32, #tpu.memory_space<hbm>> -> memref<10000x32xf32, #tpu.memory_space<hbm>>
      tpu.enqueue_indirect_dma source(%dma_start3A_20 : memref<10000x32xf32, #tpu.memory_space<hbm>>) target(%dma_start3A_14 : memref<125x32xf32, #tpu.memory_space<vmem>>) offsets(%dma_start3A_17 : memref<125xi32, #tpu.memory_space<vmem>>) semaphore(%arg7 : memref<!tpu.dma_semaphore, #tpu.memory_space<semaphore_mem>>)
      %mul3A_21 = arith.constant 20 : i32
      %mul3A_22 = arith.muli %scan3A_8, %mul3A_21 : i32
      %add3A_23 = arith.constant 1 : i32
      %add3A_24 = arith.addi %mul3A_22, %add3A_23 : i32
      %dma_start3A_25 = arith.constant 125 : i32
      %dma_start3A_26 = arith.constant 0 : i32
      %dma_start3A_27 = tpu.memref_slice %arg6[%dma_start3A_25, %dma_start3A_26] : memref<2500x32xf32, #tpu.memory_space<vmem>> -> memref<125x32xf32, #tpu.memory_space<vmem>>
      %dma_start3A_28 = arith.constant 0 : i32
      %dma_start3A_29 = tpu.memref_slice %arg5[%add3A_24, %dma_start3A_28] : memref<40x125xi32, #tpu.memory_space<vmem>> -> memref<1x125xi32, #tpu.memory_space<vmem>>
      %dma_start3A_30 = tpu.memref_squeeze %dma_start3A_29 : memref<1x125xi32, #tpu.memory_space<vmem>> -> memref<125xi32, #tpu.memory_space<vmem>>
      %dma_start3A_31 = arith.constant 0 : i32
      %dma_start3A_32 = arith.constant 0 : i32
      %dma_start3A_33 = tpu.memref_slice %arg2[%dma_start3A_31, %dma_start3A_32] : memref<10000x32xf32, #tpu.memory_space<hbm>> -> memref<10000x32xf32, #tpu.memory_space<hbm>>
      tpu.enqueue_indirect_dma source(%dma_start3A_33 : memref<10000x32xf32, #tpu.memory_space<hbm>>) target(%dma_start3A_27 : memref<125x32xf32, #tpu.memory_space<vmem>>) offsets(%dma_start3A_30 : memref<125xi32, #tpu.memory_space<vmem>>) semaphore(%arg7 : memref<!tpu.dma_semaphore, #tpu.memory_space<semaphore_mem>>)
      %mul3A_34 = arith.constant 20 : i32
      %mul3A_35 = arith.muli %scan3A_8, %mul3A_34 : i32
      %add3A_36 = arith.constant 2 : i32
      %add3A_37 = arith.addi %mul3A_35, %add3A_36 : i32
      %dma_start3A_38 = arith.constant 250 : i32
      %dma_start3A_39 = arith.constant 0 : i32
      %dma_start3A_40 = tpu.memref_slice %arg6[%dma_start3A_38, %dma_start3A_39] : memref<2500x32xf32, #tpu.memory_space<vmem>> -> memref<125x32xf32, #tpu.memory_space<vmem>>
      %dma_start3A_41 = arith.constant 0 : i32
      %dma_start3A_42 = tpu.memref_slice %arg5[%add3A_37, %dma_start3A_41] : memref<40x125xi32, #tpu.memory_space<vmem>> -> memref<1x125xi32, #tpu.memory_space<vmem>>
      %dma_start3A_43 = tpu.memref_squeeze %dma_start3A_42 : memref<1x125xi32, #tpu.memory_space<vmem>> -> memref<125xi32, #tpu.memory_space<vmem>>
      %dma_start3A_44 = arith.constant 0 : i32
      %dma_start3A_45 = arith.constant 0 : i32
      %dma_start3A_46 = tpu.memref_slice %arg2[%dma_start3A_44, %dma_start3A_45] : memref<10000x32xf32, #tpu.memory_space<hbm>> -> memref<10000x32xf32, #tpu.memory_space<hbm>>
      tpu.enqueue_indirect_dma source(%dma_start3A_46 : memref<10000x32xf32, #tpu.memory_space<hbm>>) target(%dma_start3A_40 : memref<125x32xf32, #tpu.memory_space<vmem>>) offsets(%dma_start3A_43 : memref<125xi32, #tpu.memory_space<vmem>>) semaphore(%arg7 : memref<!tpu.dma_semaphore, #tpu.memory_space<semaphore_mem>>)
      %mul3A_47 = arith.constant 20 : i32
      %mul3A_48 = arith.muli %scan3A_8, %mul3A_47 : i32
      %add3A_49 = arith.constant 3 : i32
      %add3A_50 = arith.addi %mul3A_48, %add3A_49 : i32
      %dma_start3A_51 = arith.constant 375 : i32
      %dma_start3A_52 = arith.constant 0 : i32
      %dma_start3A_53 = tpu.memref_slice %arg6[%dma_start3A_51, %dma_start3A_52] : memref<2500x32xf32, #tpu.memory_space<vmem>> -> memref<125x32xf32, #tpu.memory_space<vmem>>
      %dma_start3A_54 = arith.constant 0 : i32
      %dma_start3A_55 = tpu.memref_slice %arg5[%add3A_50, %dma_start3A_54] : memref<40x125xi32, #tpu.memory_space<vmem>> -> memref<1x125xi32, #tpu.memory_space<vmem>>
      %dma_start3A_56 = tpu.memref_squeeze %dma_start3A_55 : memref<1x125xi32, #tpu.memory_space<vmem>> -> memref<125xi32, #tpu.memory_space<vmem>>
      %dma_start3A_57 = arith.constant 0 : i32
      %dma_start3A_58 = arith.constant 0 : i32
      %dma_start3A_59 = tpu.memref_slice %arg2[%dma_start3A_57, %dma_start3A_58] : memref<10000x32xf32, #tpu.memory_space<hbm>> -> memref<10000x32xf32, #tpu.memory_space<hbm>>
      tpu.enqueue_indirect_dma source(%dma_start3A_59 : memref<10000x32xf32, #tpu.memory_space<hbm>>) target(%dma_start3A_53 : memref<125x32xf32, #tpu.memory_space<vmem>>) offsets(%dma_start3A_56 : memref<125xi32, #tpu.memory_space<vmem>>) semaphore(%arg7 : memref<!tpu.dma_semaphore, #tpu.memory_space<semaphore_mem>>)
      %mul3A_60 = arith.constant 20 : i32
      %mul3A_61 = arith.muli %scan3A_8, %mul3A_60 : i32
      %add3A_62 = arith.constant 4 : i32
      %add3A_63 = arith.addi %mul3A_61, %add3A_62 : i32
      %dma_start3A_64 = arith.constant 500 : i32
      %dma_start3A_65 = arith.constant 0 : i32
      %dma_start3A_66 = tpu.memref_slice %arg6[%dma_start3A_64, %dma_start3A_65] : memref<2500x32xf32, #tpu.memory_space<vmem>> -> memref<125x32xf32, #tpu.memory_space<vmem>>
      %dma_start3A_67 = arith.constant 0 : i32
      %dma_start3A_68 = tpu.memref_slice %arg5[%add3A_63, %dma_start3A_67] : memref<40x125xi32, #tpu.memory_space<vmem>> -> memref<1x125xi32, #tpu.memory_space<vmem>>
      %dma_start3A_69 = tpu.memref_squeeze %dma_start3A_68 : memref<1x125xi32, #tpu.memory_space<vmem>> -> memref<125xi32, #tpu.memory_space<vmem>>
      %dma_start3A_70 = arith.constant 0 : i32
      %dma_start3A_71 = arith.constant 0 : i32
      %dma_start3A_72 = tpu.memref_slice %arg2[%dma_start3A_70, %dma_start3A_71] : memref<10000x32xf32, #tpu.memory_space<hbm>> -> memref<10000x32xf32, #tpu.memory_space<hbm>>
      tpu.enqueue_indirect_dma source(%dma_start3A_72 : memref<10000x32xf32, #tpu.memory_space<hbm>>) target(%dma_start3A_66 : memref<125x32xf32, #tpu.memory_space<vmem>>) offsets(%dma_start3A_69 : memref<125xi32, #tpu.memory_space<vmem>>) semaphore(%arg7 : memref<!tpu.dma_semaphore, #tpu.memory_space<semaphore_mem>>)
      %mul3A_73 = arith.constant 20 : i32
      %mul3A_74 = arith.muli %scan3A_8, %mul3A_73 : i32
      %add3A_75 = arith.constant 5 : i32
      %add3A_76 = arith.addi %mul3A_74, %add3A_75 : i32
      %dma_start3A_77 = arith.constant 625 : i32
      %dma_start3A_78 = arith.constant 0 : i32
      %dma_start3A_79 = tpu.memref_slice %arg6[%dma_start3A_77, %dma_start3A_78] : memref<2500x32xf32, #tpu.memory_space<vmem>> -> memref<125x32xf32, #tpu.memory_space<vmem>>
      %dma_start3A_80 = arith.constant 0 : i32
      %dma_start3A_81 = tpu.memref_slice %arg5[%add3A_76, %dma_start3A_80] : memref<40x125xi32, #tpu.memory_space<vmem>> -> memref<1x125xi32, #tpu.memory_space<vmem>>
      %dma_start3A_82 = tpu.memref_squeeze %dma_start3A_81 : memref<1x125xi32, #tpu.memory_space<vmem>> -> memref<125xi32, #tpu.memory_space<vmem>>
      %dma_start3A_83 = arith.constant 0 : i32
      %dma_start3A_84 = arith.constant 0 : i32
      %dma_start3A_85 = tpu.memref_slice %arg2[%dma_start3A_83, %dma_start3A_84] : memref<10000x32xf32, #tpu.memory_space<hbm>> -> memref<10000x32xf32, #tpu.memory_space<hbm>>
      tpu.enqueue_indirect_dma source(%dma_start3A_85 : memref<10000x32xf32, #tpu.memory_space<hbm>>) target(%dma_start3A_79 : memref<125x32xf32, #tpu.memory_space<vmem>>) offsets(%dma_start3A_82 : memref<125xi32, #tpu.memory_space<vmem>>) semaphore(%arg7 : memref<!tpu.dma_semaphore, #tpu.memory_space<semaphore_mem>>)
      %mul3A_86 = arith.constant 20 : i32
      %mul3A_87 = arith.muli %scan3A_8, %mul3A_86 : i32
      %add3A_88 = arith.constant 6 : i32
      %add3A_89 = arith.addi %mul3A_87, %add3A_88 : i32
      %dma_start3A_90 = arith.constant 750 : i32
      %dma_start3A_91 = arith.constant 0 : i32
      %dma_start3A_92 = tpu.memref_slice %arg6[%dma_start3A_90, %dma_start3A_91] : memref<2500x32xf32, #tpu.memory_space<vmem>> -> memref<125x32xf32, #tpu.memory_space<vmem>>
      %dma_start3A_93 = arith.constant 0 : i32
      %dma_start3A_94 = tpu.memref_slice %arg5[%add3A_89, %dma_start3A_93] : memref<40x125xi32, #tpu.memory_space<vmem>> -> memref<1x125xi32, #tpu.memory_space<vmem>>
      %dma_start3A_95 = tpu.memref_squeeze %dma_start3A_94 : memref<1x125xi32, #tpu.memory_space<vmem>> -> memref<125xi32, #tpu.memory_space<vmem>>
      %dma_start3A_96 = arith.constant 0 : i32
      %dma_start3A_97 = arith.constant 0 : i32
      %dma_start3A_98 = tpu.memref_slice %arg2[%dma_start3A_96, %dma_start3A_97] : memref<10000x32xf32, #tpu.memory_space<hbm>> -> memref<10000x32xf32, #tpu.memory_space<hbm>>
      tpu.enqueue_indirect_dma source(%dma_start3A_98 : memref<10000x32xf32, #tpu.memory_space<hbm>>) target(%dma_start3A_92 : memref<125x32xf32, #tpu.memory_space<vmem>>) offsets(%dma_start3A_95 : memref<125xi32, #tpu.memory_space<vmem>>) semaphore(%arg7 : memref<!tpu.dma_semaphore, #tpu.memory_space<semaphore_mem>>)
      %mul3A_99 = arith.constant 20 : i32
      %mul3A_100 = arith.muli %scan3A_8, %mul3A_99 : i32
      %add3A_101 = arith.constant 7 : i32
      %add3A_102 = arith.addi %mul3A_100, %add3A_101 : i32
      %dma_start3A_103 = arith.constant 875 : i32
      %dma_start3A_104 = arith.constant 0 : i32
      %dma_start3A_105 = tpu.memref_slice %arg6[%dma_start3A_103, %dma_start3A_104] : memref<2500x32xf32, #tpu.memory_space<vmem>> -> memref<125x32xf32, #tpu.memory_space<vmem>>
      %dma_start3A_106 = arith.constant 0 : i32
      %dma_start3A_107 = tpu.memref_slice %arg5[%add3A_102, %dma_start3A_106] : memref<40x125xi32, #tpu.memory_space<vmem>> -> memref<1x125xi32, #tpu.memory_space<vmem>>
      %dma_start3A_108 = tpu.memref_squeeze %dma_start3A_107 : memref<1x125xi32, #tpu.memory_space<vmem>> -> memref<125xi32, #tpu.memory_space<vmem>>
      %dma_start3A_109 = arith.constant 0 : i32
      %dma_start3A_110 = arith.constant 0 : i32
      %dma_start3A_111 = tpu.memref_slice %arg2[%dma_start3A_109, %dma_start3A_110] : memref<10000x32xf32, #tpu.memory_space<hbm>> -> memref<10000x32xf32, #tpu.memory_space<hbm>>
      tpu.enqueue_indirect_dma source(%dma_start3A_111 : memref<10000x32xf32, #tpu.memory_space<hbm>>) target(%dma_start3A_105 : memref<125x32xf32, #tpu.memory_space<vmem>>) offsets(%dma_start3A_108 : memref<125xi32, #tpu.memory_space<vmem>>) semaphore(%arg7 : memref<!tpu.dma_semaphore, #tpu.memory_space<semaphore_mem>>)
      %mul3A_112 = arith.constant 20 : i32
      %mul3A_113 = arith.muli %scan3A_8, %mul3A_112 : i32
      %add3A_114 = arith.constant 8 : i32
      %add3A_115 = arith.addi %mul3A_113, %add3A_114 : i32
      %dma_start3A_116 = arith.constant 1000 : i32
      %dma_start3A_117 = arith.constant 0 : i32
      %dma_start3A_118 = tpu.memref_slice %arg6[%dma_start3A_116, %dma_start3A_117] : memref<2500x32xf32, #tpu.memory_space<vmem>> -> memref<125x32xf32, #tpu.memory_space<vmem>>
      %dma_start3A_119 = arith.constant 0 : i32
      %dma_start3A_120 = tpu.memref_slice %arg5[%add3A_115, %dma_start3A_119] : memref<40x125xi32, #tpu.memory_space<vmem>> -> memref<1x125xi32, #tpu.memory_space<vmem>>
      %dma_start3A_121 = tpu.memref_squeeze %dma_start3A_120 : memref<1x125xi32, #tpu.memory_space<vmem>> -> memref<125xi32, #tpu.memory_space<vmem>>
      %dma_start3A_122 = arith.constant 0 : i32
      %dma_start3A_123 = arith.constant 0 : i32
      %dma_start3A_124 = tpu.memref_slice %arg2[%dma_start3A_122, %dma_start3A_123] : memref<10000x32xf32, #tpu.memory_space<hbm>> -> memref<10000x32xf32, #tpu.memory_space<hbm>>
      tpu.enqueue_indirect_dma source(%dma_start3A_124 : memref<10000x32xf32, #tpu.memory_space<hbm>>) target(%dma_start3A_118 : memref<125x32xf32, #tpu.memory_space<vmem>>) offsets(%dma_start3A_121 : memref<125xi32, #tpu.memory_space<vmem>>) semaphore(%arg7 : memref<!tpu.dma_semaphore, #tpu.memory_space<semaphore_mem>>)
      %mul3A_125 = arith.constant 20 : i32
      %mul3A_126 = arith.muli %scan3A_8, %mul3A_125 : i32
      %add3A_127 = arith.constant 9 : i32
      %add3A_128 = arith.addi %mul3A_126, %add3A_127 : i32
      %dma_start3A_129 = arith.constant 1125 : i32
      %dma_start3A_130 = arith.constant 0 : i32
      %dma_start3A_131 = tpu.memref_slice %arg6[%dma_start3A_129, %dma_start3A_130] : memref<2500x32xf32, #tpu.memory_space<vmem>> -> memref<125x32xf32, #tpu.memory_space<vmem>>
      %dma_start3A_132 = arith.constant 0 : i32
      %dma_start3A_133 = tpu.memref_slice %arg5[%add3A_128, %dma_start3A_132] : memref<40x125xi32, #tpu.memory_space<vmem>> -> memref<1x125xi32, #tpu.memory_space<vmem>>
      %dma_start3A_134 = tpu.memref_squeeze %dma_start3A_133 : memref<1x125xi32, #tpu.memory_space<vmem>> -> memref<125xi32, #tpu.memory_space<vmem>>
      %dma_start3A_135 = arith.constant 0 : i32
      %dma_start3A_136 = arith.constant 0 : i32
      %dma_start3A_137 = tpu.memref_slice %arg2[%dma_start3A_135, %dma_start3A_136] : memref<10000x32xf32, #tpu.memory_space<hbm>> -> memref<10000x32xf32, #tpu.memory_space<hbm>>
      tpu.enqueue_indirect_dma source(%dma_start3A_137 : memref<10000x32xf32, #tpu.memory_space<hbm>>) target(%dma_start3A_131 : memref<125x32xf32, #tpu.memory_space<vmem>>) offsets(%dma_start3A_134 : memref<125xi32, #tpu.memory_space<vmem>>) semaphore(%arg7 : memref<!tpu.dma_semaphore, #tpu.memory_space<semaphore_mem>>)
      %mul3A_138 = arith.constant 20 : i32
      %mul3A_139 = arith.muli %scan3A_8, %mul3A_138 : i32
      %add3A_140 = arith.constant 10 : i32
      %add3A_141 = arith.addi %mul3A_139, %add3A_140 : i32
      %dma_start3A_142 = arith.constant 1250 : i32
      %dma_start3A_143 = arith.constant 0 : i32
      %dma_start3A_144 = tpu.memref_slice %arg6[%dma_start3A_142, %dma_start3A_143] : memref<2500x32xf32, #tpu.memory_space<vmem>> -> memref<125x32xf32, #tpu.memory_space<vmem>>
      %dma_start3A_145 = arith.constant 0 : i32
      %dma_start3A_146 = tpu.memref_slice %arg5[%add3A_141, %dma_start3A_145] : memref<40x125xi32, #tpu.memory_space<vmem>> -> memref<1x125xi32, #tpu.memory_space<vmem>>
      %dma_start3A_147 = tpu.memref_squeeze %dma_start3A_146 : memref<1x125xi32, #tpu.memory_space<vmem>> -> memref<125xi32, #tpu.memory_space<vmem>>
      %dma_start3A_148 = arith.constant 0 : i32
      %dma_start3A_149 = arith.constant 0 : i32
      %dma_start3A_150 = tpu.memref_slice %arg2[%dma_start3A_148, %dma_start3A_149] : memref<10000x32xf32, #tpu.memory_space<hbm>> -> memref<10000x32xf32, #tpu.memory_space<hbm>>
      tpu.enqueue_indirect_dma source(%dma_start3A_150 : memref<10000x32xf32, #tpu.memory_space<hbm>>) target(%dma_start3A_144 : memref<125x32xf32, #tpu.memory_space<vmem>>) offsets(%dma_start3A_147 : memref<125xi32, #tpu.memory_space<vmem>>) semaphore(%arg7 : memref<!tpu.dma_semaphore, #tpu.memory_space<semaphore_mem>>)
      %mul3A_151 = arith.constant 20 : i32
      %mul3A_152 = arith.muli %scan3A_8, %mul3A_151 : i32
      %add3A_153 = arith.constant 11 : i32
      %add3A_154 = arith.addi %mul3A_152, %add3A_153 : i32
      %dma_start3A_155 = arith.constant 1375 : i32
      %dma_start3A_156 = arith.constant 0 : i32
      %dma_start3A_157 = tpu.memref_slice %arg6[%dma_start3A_155, %dma_start3A_156] : memref<2500x32xf32, #tpu.memory_space<vmem>> -> memref<125x32xf32, #tpu.memory_space<vmem>>
      %dma_start3A_158 = arith.constant 0 : i32
      %dma_start3A_159 = tpu.memref_slice %arg5[%add3A_154, %dma_start3A_158] : memref<40x125xi32, #tpu.memory_space<vmem>> -> memref<1x125xi32, #tpu.memory_space<vmem>>
      %dma_start3A_160 = tpu.memref_squeeze %dma_start3A_159 : memref<1x125xi32, #tpu.memory_space<vmem>> -> memref<125xi32, #tpu.memory_space<vmem>>
      %dma_start3A_161 = arith.constant 0 : i32
      %dma_start3A_162 = arith.constant 0 : i32
      %dma_start3A_163 = tpu.memref_slice %arg2[%dma_start3A_161, %dma_start3A_162] : memref<10000x32xf32, #tpu.memory_space<hbm>> -> memref<10000x32xf32, #tpu.memory_space<hbm>>
      tpu.enqueue_indirect_dma source(%dma_start3A_163 : memref<10000x32xf32, #tpu.memory_space<hbm>>) target(%dma_start3A_157 : memref<125x32xf32, #tpu.memory_space<vmem>>) offsets(%dma_start3A_160 : memref<125xi32, #tpu.memory_space<vmem>>) semaphore(%arg7 : memref<!tpu.dma_semaphore, #tpu.memory_space<semaphore_mem>>)
      %mul3A_164 = arith.constant 20 : i32
      %mul3A_165 = arith.muli %scan3A_8, %mul3A_164 : i32
      %add3A_166 = arith.constant 12 : i32
      %add3A_167 = arith.addi %mul3A_165, %add3A_166 : i32
      %dma_start3A_168 = arith.constant 1500 : i32
      %dma_start3A_169 = arith.constant 0 : i32
      %dma_start3A_170 = tpu.memref_slice %arg6[%dma_start3A_168, %dma_start3A_169] : memref<2500x32xf32, #tpu.memory_space<vmem>> -> memref<125x32xf32, #tpu.memory_space<vmem>>
      %dma_start3A_171 = arith.constant 0 : i32
      %dma_start3A_172 = tpu.memref_slice %arg5[%add3A_167, %dma_start3A_171] : memref<40x125xi32, #tpu.memory_space<vmem>> -> memref<1x125xi32, #tpu.memory_space<vmem>>
      %dma_start3A_173 = tpu.memref_squeeze %dma_start3A_172 : memref<1x125xi32, #tpu.memory_space<vmem>> -> memref<125xi32, #tpu.memory_space<vmem>>
      %dma_start3A_174 = arith.constant 0 : i32
      %dma_start3A_175 = arith.constant 0 : i32
      %dma_start3A_176 = tpu.memref_slice %arg2[%dma_start3A_174, %dma_start3A_175] : memref<10000x32xf32, #tpu.memory_space<hbm>> -> memref<10000x32xf32, #tpu.memory_space<hbm>>
      tpu.enqueue_indirect_dma source(%dma_start3A_176 : memref<10000x32xf32, #tpu.memory_space<hbm>>) target(%dma_start3A_170 : memref<125x32xf32, #tpu.memory_space<vmem>>) offsets(%dma_start3A_173 : memref<125xi32, #tpu.memory_space<vmem>>) semaphore(%arg7 : memref<!tpu.dma_semaphore, #tpu.memory_space<semaphore_mem>>)
      %mul3A_177 = arith.constant 20 : i32
      %mul3A_178 = arith.muli %scan3A_8, %mul3A_177 : i32
      %add3A_179 = arith.constant 13 : i32
      %add3A_180 = arith.addi %mul3A_178, %add3A_179 : i32
      %dma_start3A_181 = arith.constant 1625 : i32
      %dma_start3A_182 = arith.constant 0 : i32
      %dma_start3A_183 = tpu.memref_slice %arg6[%dma_start3A_181, %dma_start3A_182] : memref<2500x32xf32, #tpu.memory_space<vmem>> -> memref<125x32xf32, #tpu.memory_space<vmem>>
      %dma_start3A_184 = arith.constant 0 : i32
      %dma_start3A_185 = tpu.memref_slice %arg5[%add3A_180, %dma_start3A_184] : memref<40x125xi32, #tpu.memory_space<vmem>> -> memref<1x125xi32, #tpu.memory_space<vmem>>
      %dma_start3A_186 = tpu.memref_squeeze %dma_start3A_185 : memref<1x125xi32, #tpu.memory_space<vmem>> -> memref<125xi32, #tpu.memory_space<vmem>>
      %dma_start3A_187 = arith.constant 0 : i32
      %dma_start3A_188 = arith.constant 0 : i32
      %dma_start3A_189 = tpu.memref_slice %arg2[%dma_start3A_187, %dma_start3A_188] : memref<10000x32xf32, #tpu.memory_space<hbm>> -> memref<10000x32xf32, #tpu.memory_space<hbm>>
      tpu.enqueue_indirect_dma source(%dma_start3A_189 : memref<10000x32xf32, #tpu.memory_space<hbm>>) target(%dma_start3A_183 : memref<125x32xf32, #tpu.memory_space<vmem>>) offsets(%dma_start3A_186 : memref<125xi32, #tpu.memory_space<vmem>>) semaphore(%arg7 : memref<!tpu.dma_semaphore, #tpu.memory_space<semaphore_mem>>)
      %mul3A_190 = arith.constant 20 : i32
      %mul3A_191 = arith.muli %scan3A_8, %mul3A_190 : i32
      %add3A_192 = arith.constant 14 : i32
      %add3A_193 = arith.addi %mul3A_191, %add3A_192 : i32
      %dma_start3A_194 = arith.constant 1750 : i32
      %dma_start3A_195 = arith.constant 0 : i32
      %dma_start3A_196 = tpu.memref_slice %arg6[%dma_start3A_194, %dma_start3A_195] : memref<2500x32xf32, #tpu.memory_space<vmem>> -> memref<125x32xf32, #tpu.memory_space<vmem>>
      %dma_start3A_197 = arith.constant 0 : i32
      %dma_start3A_198 = tpu.memref_slice %arg5[%add3A_193, %dma_start3A_197] : memref<40x125xi32, #tpu.memory_space<vmem>> -> memref<1x125xi32, #tpu.memory_space<vmem>>
      %dma_start3A_199 = tpu.memref_squeeze %dma_start3A_198 : memref<1x125xi32, #tpu.memory_space<vmem>> -> memref<125xi32, #tpu.memory_space<vmem>>
      %dma_start3A_200 = arith.constant 0 : i32
      %dma_start3A_201 = arith.constant 0 : i32
      %dma_start3A_202 = tpu.memref_slice %arg2[%dma_start3A_200, %dma_start3A_201] : memref<10000x32xf32, #tpu.memory_space<hbm>> -> memref<10000x32xf32, #tpu.memory_space<hbm>>
      tpu.enqueue_indirect_dma source(%dma_start3A_202 : memref<10000x32xf32, #tpu.memory_space<hbm>>) target(%dma_start3A_196 : memref<125x32xf32, #tpu.memory_space<vmem>>) offsets(%dma_start3A_199 : memref<125xi32, #tpu.memory_space<vmem>>) semaphore(%arg7 : memref<!tpu.dma_semaphore, #tpu.memory_space<semaphore_mem>>)
      %mul3A_203 = arith.constant 20 : i32
      %mul3A_204 = arith.muli %scan3A_8, %mul3A_203 : i32
      %add3A_205 = arith.constant 15 : i32
      %add3A_206 = arith.addi %mul3A_204, %add3A_205 : i32
      %dma_start3A_207 = arith.constant 1875 : i32
      %dma_start3A_208 = arith.constant 0 : i32
      %dma_start3A_209 = tpu.memref_slice %arg6[%dma_start3A_207, %dma_start3A_208] : memref<2500x32xf32, #tpu.memory_space<vmem>> -> memref<125x32xf32, #tpu.memory_space<vmem>>
      %dma_start3A_210 = arith.constant 0 : i32
      %dma_start3A_211 = tpu.memref_slice %arg5[%add3A_206, %dma_start3A_210] : memref<40x125xi32, #tpu.memory_space<vmem>> -> memref<1x125xi32, #tpu.memory_space<vmem>>
      %dma_start3A_212 = tpu.memref_squeeze %dma_start3A_211 : memref<1x125xi32, #tpu.memory_space<vmem>> -> memref<125xi32, #tpu.memory_space<vmem>>
      %dma_start3A_213 = arith.constant 0 : i32
      %dma_start3A_214 = arith.constant 0 : i32
      %dma_start3A_215 = tpu.memref_slice %arg2[%dma_start3A_213, %dma_start3A_214] : memref<10000x32xf32, #tpu.memory_space<hbm>> -> memref<10000x32xf32, #tpu.memory_space<hbm>>
      tpu.enqueue_indirect_dma source(%dma_start3A_215 : memref<10000x32xf32, #tpu.memory_space<hbm>>) target(%dma_start3A_209 : memref<125x32xf32, #tpu.memory_space<vmem>>) offsets(%dma_start3A_212 : memref<125xi32, #tpu.memory_space<vmem>>) semaphore(%arg7 : memref<!tpu.dma_semaphore, #tpu.memory_space<semaphore_mem>>)
      %mul3A_216 = arith.constant 20 : i32
      %mul3A_217 = arith.muli %scan3A_8, %mul3A_216 : i32
      %add3A_218 = arith.constant 16 : i32
      %add3A_219 = arith.addi %mul3A_217, %add3A_218 : i32
      %dma_start3A_220 = arith.constant 2000 : i32
      %dma_start3A_221 = arith.constant 0 : i32
      %dma_start3A_222 = tpu.memref_slice %arg6[%dma_start3A_220, %dma_start3A_221] : memref<2500x32xf32, #tpu.memory_space<vmem>> -> memref<125x32xf32, #tpu.memory_space<vmem>>
      %dma_start3A_223 = arith.constant 0 : i32
      %dma_start3A_224 = tpu.memref_slice %arg5[%add3A_219, %dma_start3A_223] : memref<40x125xi32, #tpu.memory_space<vmem>> -> memref<1x125xi32, #tpu.memory_space<vmem>>
      %dma_start3A_225 = tpu.memref_squeeze %dma_start3A_224 : memref<1x125xi32, #tpu.memory_space<vmem>> -> memref<125xi32, #tpu.memory_space<vmem>>
      %dma_start3A_226 = arith.constant 0 : i32
      %dma_start3A_227 = arith.constant 0 : i32
      %dma_start3A_228 = tpu.memref_slice %arg2[%dma_start3A_226, %dma_start3A_227] : memref<10000x32xf32, #tpu.memory_space<hbm>> -> memref<10000x32xf32, #tpu.memory_space<hbm>>
      tpu.enqueue_indirect_dma source(%dma_start3A_228 : memref<10000x32xf32, #tpu.memory_space<hbm>>) target(%dma_start3A_222 : memref<125x32xf32, #tpu.memory_space<vmem>>) offsets(%dma_start3A_225 : memref<125xi32, #tpu.memory_space<vmem>>) semaphore(%arg7 : memref<!tpu.dma_semaphore, #tpu.memory_space<semaphore_mem>>)
      %mul3A_229 = arith.constant 20 : i32
      %mul3A_230 = arith.muli %scan3A_8, %mul3A_229 : i32
      %add3A_231 = arith.constant 17 : i32
      %add3A_232 = arith.addi %mul3A_230, %add3A_231 : i32
      %dma_start3A_233 = arith.constant 2125 : i32
      %dma_start3A_234 = arith.constant 0 : i32
      %dma_start3A_235 = tpu.memref_slice %arg6[%dma_start3A_233, %dma_start3A_234] : memref<2500x32xf32, #tpu.memory_space<vmem>> -> memref<125x32xf32, #tpu.memory_space<vmem>>
      %dma_start3A_236 = arith.constant 0 : i32
      %dma_start3A_237 = tpu.memref_slice %arg5[%add3A_232, %dma_start3A_236] : memref<40x125xi32, #tpu.memory_space<vmem>> -> memref<1x125xi32, #tpu.memory_space<vmem>>
      %dma_start3A_238 = tpu.memref_squeeze %dma_start3A_237 : memref<1x125xi32, #tpu.memory_space<vmem>> -> memref<125xi32, #tpu.memory_space<vmem>>
      %dma_start3A_239 = arith.constant 0 : i32
      %dma_start3A_240 = arith.constant 0 : i32
      %dma_start3A_241 = tpu.memref_slice %arg2[%dma_start3A_239, %dma_start3A_240] : memref<10000x32xf32, #tpu.memory_space<hbm>> -> memref<10000x32xf32, #tpu.memory_space<hbm>>
      tpu.enqueue_indirect_dma source(%dma_start3A_241 : memref<10000x32xf32, #tpu.memory_space<hbm>>) target(%dma_start3A_235 : memref<125x32xf32, #tpu.memory_space<vmem>>) offsets(%dma_start3A_238 : memref<125xi32, #tpu.memory_space<vmem>>) semaphore(%arg7 : memref<!tpu.dma_semaphore, #tpu.memory_space<semaphore_mem>>)
      %mul3A_242 = arith.constant 20 : i32
      %mul3A_243 = arith.muli %scan3A_8, %mul3A_242 : i32
      %add3A_244 = arith.constant 18 : i32
      %add3A_245 = arith.addi %mul3A_243, %add3A_244 : i32
      %dma_start3A_246 = arith.constant 2250 : i32
      %dma_start3A_247 = arith.constant 0 : i32
      %dma_start3A_248 = tpu.memref_slice %arg6[%dma_start3A_246, %dma_start3A_247] : memref<2500x32xf32, #tpu.memory_space<vmem>> -> memref<125x32xf32, #tpu.memory_space<vmem>>
      %dma_start3A_249 = arith.constant 0 : i32
      %dma_start3A_250 = tpu.memref_slice %arg5[%add3A_245, %dma_start3A_249] : memref<40x125xi32, #tpu.memory_space<vmem>> -> memref<1x125xi32, #tpu.memory_space<vmem>>
      %dma_start3A_251 = tpu.memref_squeeze %dma_start3A_250 : memref<1x125xi32, #tpu.memory_space<vmem>> -> memref<125xi32, #tpu.memory_space<vmem>>
      %dma_start3A_252 = arith.constant 0 : i32
      %dma_start3A_253 = arith.constant 0 : i32
      %dma_start3A_254 = tpu.memref_slice %arg2[%dma_start3A_252, %dma_start3A_253] : memref<10000x32xf32, #tpu.memory_space<hbm>> -> memref<10000x32xf32, #tpu.memory_space<hbm>>
      tpu.enqueue_indirect_dma source(%dma_start3A_254 : memref<10000x32xf32, #tpu.memory_space<hbm>>) target(%dma_start3A_248 : memref<125x32xf32, #tpu.memory_space<vmem>>) offsets(%dma_start3A_251 : memref<125xi32, #tpu.memory_space<vmem>>) semaphore(%arg7 : memref<!tpu.dma_semaphore, #tpu.memory_space<semaphore_mem>>)
      %mul3A_255 = arith.constant 20 : i32
      %mul3A_256 = arith.muli %scan3A_8, %mul3A_255 : i32
      %add3A_257 = arith.constant 19 : i32
      %add3A_258 = arith.addi %mul3A_256, %add3A_257 : i32
      %dma_start3A_259 = arith.constant 2375 : i32
      %dma_start3A_260 = arith.constant 0 : i32
      %dma_start3A_261 = tpu.memref_slice %arg6[%dma_start3A_259, %dma_start3A_260] : memref<2500x32xf32, #tpu.memory_space<vmem>> -> memref<125x32xf32, #tpu.memory_space<vmem>>
      %dma_start3A_262 = arith.constant 0 : i32
      %dma_start3A_263 = tpu.memref_slice %arg5[%add3A_258, %dma_start3A_262] : memref<40x125xi32, #tpu.memory_space<vmem>> -> memref<1x125xi32, #tpu.memory_space<vmem>>
      %dma_start3A_264 = tpu.memref_squeeze %dma_start3A_263 : memref<1x125xi32, #tpu.memory_space<vmem>> -> memref<125xi32, #tpu.memory_space<vmem>>
      %dma_start3A_265 = arith.constant 0 : i32
      %dma_start3A_266 = arith.constant 0 : i32
      %dma_start3A_267 = tpu.memref_slice %arg2[%dma_start3A_265, %dma_start3A_266] : memref<10000x32xf32, #tpu.memory_space<hbm>> -> memref<10000x32xf32, #tpu.memory_space<hbm>>
      tpu.enqueue_indirect_dma source(%dma_start3A_267 : memref<10000x32xf32, #tpu.memory_space<hbm>>) target(%dma_start3A_261 : memref<125x32xf32, #tpu.memory_space<vmem>>) offsets(%dma_start3A_264 : memref<125xi32, #tpu.memory_space<vmem>>) semaphore(%arg7 : memref<!tpu.dma_semaphore, #tpu.memory_space<semaphore_mem>>)
      %dma_wait3A = arith.constant 0 : i32
      %dma_wait3A_268 = arith.constant 0 : i32
      %dma_wait3A_269 = tpu.memref_slice %arg6[%dma_wait3A, %dma_wait3A_268] : memref<2500x32xf32, #tpu.memory_space<vmem>> -> memref<125x32xf32, #tpu.memory_space<vmem>>
      %dma_wait3A_270 = arith.constant 0 : i32
      %dma_wait3A_271 = tpu.memref_slice %arg5[%add3A_12, %dma_wait3A_270] : memref<40x125xi32, #tpu.memory_space<vmem>> -> memref<1x125xi32, #tpu.memory_space<vmem>>
      %dma_wait3A_272 = tpu.memref_squeeze %dma_wait3A_271 : memref<1x125xi32, #tpu.memory_space<vmem>> -> memref<125xi32, #tpu.memory_space<vmem>>
      %dma_wait3A_273 = arith.constant 0 : i32
      %dma_wait3A_274 = arith.constant 0 : i32
      %dma_wait3A_275 = tpu.memref_slice %arg2[%dma_wait3A_273, %dma_wait3A_274] : memref<10000x32xf32, #tpu.memory_space<hbm>> -> memref<10000x32xf32, #tpu.memory_space<hbm>>
      tpu.wait_indirect_dma semaphore(%arg7 : memref<!tpu.dma_semaphore, #tpu.memory_space<semaphore_mem>>) src(%dma_wait3A_275 : memref<10000x32xf32, #tpu.memory_space<hbm>>) dst(%dma_wait3A_269 : memref<125x32xf32, #tpu.memory_space<vmem>>)
      %dma_wait3A_276 = arith.constant 125 : i32
      %dma_wait3A_277 = arith.constant 0 : i32
      %dma_wait3A_278 = tpu.memref_slice %arg6[%dma_wait3A_276, %dma_wait3A_277] : memref<2500x32xf32, #tpu.memory_space<vmem>> -> memref<125x32xf32, #tpu.memory_space<vmem>>
      %dma_wait3A_279 = arith.constant 0 : i32
      %dma_wait3A_280 = tpu.memref_slice %arg5[%add3A_24, %dma_wait3A_279] : memref<40x125xi32, #tpu.memory_space<vmem>> -> memref<1x125xi32, #tpu.memory_space<vmem>>
      %dma_wait3A_281 = tpu.memref_squeeze %dma_wait3A_280 : memref<1x125xi32, #tpu.memory_space<vmem>> -> memref<125xi32, #tpu.memory_space<vmem>>
      %dma_wait3A_282 = arith.constant 0 : i32
      %dma_wait3A_283 = arith.constant 0 : i32
      %dma_wait3A_284 = tpu.memref_slice %arg2[%dma_wait3A_282, %dma_wait3A_283] : memref<10000x32xf32, #tpu.memory_space<hbm>> -> memref<10000x32xf32, #tpu.memory_space<hbm>>
      tpu.wait_indirect_dma semaphore(%arg7 : memref<!tpu.dma_semaphore, #tpu.memory_space<semaphore_mem>>) src(%dma_wait3A_284 : memref<10000x32xf32, #tpu.memory_space<hbm>>) dst(%dma_wait3A_278 : memref<125x32xf32, #tpu.memory_space<vmem>>)
      %dma_wait3A_285 = arith.constant 250 : i32
      %dma_wait3A_286 = arith.constant 0 : i32
      %dma_wait3A_287 = tpu.memref_slice %arg6[%dma_wait3A_285, %dma_wait3A_286] : memref<2500x32xf32, #tpu.memory_space<vmem>> -> memref<125x32xf32, #tpu.memory_space<vmem>>
      %dma_wait3A_288 = arith.constant 0 : i32
      %dma_wait3A_289 = tpu.memref_slice %arg5[%add3A_37, %dma_wait3A_288] : memref<40x125xi32, #tpu.memory_space<vmem>> -> memref<1x125xi32, #tpu.memory_space<vmem>>
      %dma_wait3A_290 = tpu.memref_squeeze %dma_wait3A_289 : memref<1x125xi32, #tpu.memory_space<vmem>> -> memref<125xi32, #tpu.memory_space<vmem>>
      %dma_wait3A_291 = arith.constant 0 : i32
      %dma_wait3A_292 = arith.constant 0 : i32
      %dma_wait3A_293 = tpu.memref_slice %arg2[%dma_wait3A_291, %dma_wait3A_292] : memref<10000x32xf32, #tpu.memory_space<hbm>> -> memref<10000x32xf32, #tpu.memory_space<hbm>>
      tpu.wait_indirect_dma semaphore(%arg7 : memref<!tpu.dma_semaphore, #tpu.memory_space<semaphore_mem>>) src(%dma_wait3A_293 : memref<10000x32xf32, #tpu.memory_space<hbm>>) dst(%dma_wait3A_287 : memref<125x32xf32, #tpu.memory_space<vmem>>)
      %dma_wait3A_294 = arith.constant 375 : i32
      %dma_wait3A_295 = arith.constant 0 : i32
      %dma_wait3A_296 = tpu.memref_slice %arg6[%dma_wait3A_294, %dma_wait3A_295] : memref<2500x32xf32, #tpu.memory_space<vmem>> -> memref<125x32xf32, #tpu.memory_space<vmem>>
      %dma_wait3A_297 = arith.constant 0 : i32
      %dma_wait3A_298 = tpu.memref_slice %arg5[%add3A_50, %dma_wait3A_297] : memref<40x125xi32, #tpu.memory_space<vmem>> -> memref<1x125xi32, #tpu.memory_space<vmem>>
      %dma_wait3A_299 = tpu.memref_squeeze %dma_wait3A_298 : memref<1x125xi32, #tpu.memory_space<vmem>> -> memref<125xi32, #tpu.memory_space<vmem>>
      %dma_wait3A_300 = arith.constant 0 : i32
      %dma_wait3A_301 = arith.constant 0 : i32
      %dma_wait3A_302 = tpu.memref_slice %arg2[%dma_wait3A_300, %dma_wait3A_301] : memref<10000x32xf32, #tpu.memory_space<hbm>> -> memref<10000x32xf32, #tpu.memory_space<hbm>>
      tpu.wait_indirect_dma semaphore(%arg7 : memref<!tpu.dma_semaphore, #tpu.memory_space<semaphore_mem>>) src(%dma_wait3A_302 : memref<10000x32xf32, #tpu.memory_space<hbm>>) dst(%dma_wait3A_296 : memref<125x32xf32, #tpu.memory_space<vmem>>)
      %dma_wait3A_303 = arith.constant 500 : i32
      %dma_wait3A_304 = arith.constant 0 : i32
      %dma_wait3A_305 = tpu.memref_slice %arg6[%dma_wait3A_303, %dma_wait3A_304] : memref<2500x32xf32, #tpu.memory_space<vmem>> -> memref<125x32xf32, #tpu.memory_space<vmem>>
      %dma_wait3A_306 = arith.constant 0 : i32
      %dma_wait3A_307 = tpu.memref_slice %arg5[%add3A_63, %dma_wait3A_306] : memref<40x125xi32, #tpu.memory_space<vmem>> -> memref<1x125xi32, #tpu.memory_space<vmem>>
      %dma_wait3A_308 = tpu.memref_squeeze %dma_wait3A_307 : memref<1x125xi32, #tpu.memory_space<vmem>> -> memref<125xi32, #tpu.memory_space<vmem>>
      %dma_wait3A_309 = arith.constant 0 : i32
      %dma_wait3A_310 = arith.constant 0 : i32
      %dma_wait3A_311 = tpu.memref_slice %arg2[%dma_wait3A_309, %dma_wait3A_310] : memref<10000x32xf32, #tpu.memory_space<hbm>> -> memref<10000x32xf32, #tpu.memory_space<hbm>>
      tpu.wait_indirect_dma semaphore(%arg7 : memref<!tpu.dma_semaphore, #tpu.memory_space<semaphore_mem>>) src(%dma_wait3A_311 : memref<10000x32xf32, #tpu.memory_space<hbm>>) dst(%dma_wait3A_305 : memref<125x32xf32, #tpu.memory_space<vmem>>)
      %dma_wait3A_312 = arith.constant 625 : i32
      %dma_wait3A_313 = arith.constant 0 : i32
      %dma_wait3A_314 = tpu.memref_slice %arg6[%dma_wait3A_312, %dma_wait3A_313] : memref<2500x32xf32, #tpu.memory_space<vmem>> -> memref<125x32xf32, #tpu.memory_space<vmem>>
      %dma_wait3A_315 = arith.constant 0 : i32
      %dma_wait3A_316 = tpu.memref_slice %arg5[%add3A_76, %dma_wait3A_315] : memref<40x125xi32, #tpu.memory_space<vmem>> -> memref<1x125xi32, #tpu.memory_space<vmem>>
      %dma_wait3A_317 = tpu.memref_squeeze %dma_wait3A_316 : memref<1x125xi32, #tpu.memory_space<vmem>> -> memref<125xi32, #tpu.memory_space<vmem>>
      %dma_wait3A_318 = arith.constant 0 : i32
      %dma_wait3A_319 = arith.constant 0 : i32
      %dma_wait3A_320 = tpu.memref_slice %arg2[%dma_wait3A_318, %dma_wait3A_319] : memref<10000x32xf32, #tpu.memory_space<hbm>> -> memref<10000x32xf32, #tpu.memory_space<hbm>>
      tpu.wait_indirect_dma semaphore(%arg7 : memref<!tpu.dma_semaphore, #tpu.memory_space<semaphore_mem>>) src(%dma_wait3A_320 : memref<10000x32xf32, #tpu.memory_space<hbm>>) dst(%dma_wait3A_314 : memref<125x32xf32, #tpu.memory_space<vmem>>)
      %dma_wait3A_321 = arith.constant 750 : i32
      %dma_wait3A_322 = arith.constant 0 : i32
      %dma_wait3A_323 = tpu.memref_slice %arg6[%dma_wait3A_321, %dma_wait3A_322] : memref<2500x32xf32, #tpu.memory_space<vmem>> -> memref<125x32xf32, #tpu.memory_space<vmem>>
      %dma_wait3A_324 = arith.constant 0 : i32
      %dma_wait3A_325 = tpu.memref_slice %arg5[%add3A_89, %dma_wait3A_324] : memref<40x125xi32, #tpu.memory_space<vmem>> -> memref<1x125xi32, #tpu.memory_space<vmem>>
      %dma_wait3A_326 = tpu.memref_squeeze %dma_wait3A_325 : memref<1x125xi32, #tpu.memory_space<vmem>> -> memref<125xi32, #tpu.memory_space<vmem>>
      %dma_wait3A_327 = arith.constant 0 : i32
      %dma_wait3A_328 = arith.constant 0 : i32
      %dma_wait3A_329 = tpu.memref_slice %arg2[%dma_wait3A_327, %dma_wait3A_328] : memref<10000x32xf32, #tpu.memory_space<hbm>> -> memref<10000x32xf32, #tpu.memory_space<hbm>>
      tpu.wait_indirect_dma semaphore(%arg7 : memref<!tpu.dma_semaphore, #tpu.memory_space<semaphore_mem>>) src(%dma_wait3A_329 : memref<10000x32xf32, #tpu.memory_space<hbm>>) dst(%dma_wait3A_323 : memref<125x32xf32, #tpu.memory_space<vmem>>)
      %dma_wait3A_330 = arith.constant 875 : i32
      %dma_wait3A_331 = arith.constant 0 : i32
      %dma_wait3A_332 = tpu.memref_slice %arg6[%dma_wait3A_330, %dma_wait3A_331] : memref<2500x32xf32, #tpu.memory_space<vmem>> -> memref<125x32xf32, #tpu.memory_space<vmem>>
      %dma_wait3A_333 = arith.constant 0 : i32
      %dma_wait3A_334 = tpu.memref_slice %arg5[%add3A_102, %dma_wait3A_333] : memref<40x125xi32, #tpu.memory_space<vmem>> -> memref<1x125xi32, #tpu.memory_space<vmem>>
      %dma_wait3A_335 = tpu.memref_squeeze %dma_wait3A_334 : memref<1x125xi32, #tpu.memory_space<vmem>> -> memref<125xi32, #tpu.memory_space<vmem>>
      %dma_wait3A_336 = arith.constant 0 : i32
      %dma_wait3A_337 = arith.constant 0 : i32
      %dma_wait3A_338 = tpu.memref_slice %arg2[%dma_wait3A_336, %dma_wait3A_337] : memref<10000x32xf32, #tpu.memory_space<hbm>> -> memref<10000x32xf32, #tpu.memory_space<hbm>>
      tpu.wait_indirect_dma semaphore(%arg7 : memref<!tpu.dma_semaphore, #tpu.memory_space<semaphore_mem>>) src(%dma_wait3A_338 : memref<10000x32xf32, #tpu.memory_space<hbm>>) dst(%dma_wait3A_332 : memref<125x32xf32, #tpu.memory_space<vmem>>)
      %dma_wait3A_339 = arith.constant 1000 : i32
      %dma_wait3A_340 = arith.constant 0 : i32
      %dma_wait3A_341 = tpu.memref_slice %arg6[%dma_wait3A_339, %dma_wait3A_340] : memref<2500x32xf32, #tpu.memory_space<vmem>> -> memref<125x32xf32, #tpu.memory_space<vmem>>
      %dma_wait3A_342 = arith.constant 0 : i32
      %dma_wait3A_343 = tpu.memref_slice %arg5[%add3A_115, %dma_wait3A_342] : memref<40x125xi32, #tpu.memory_space<vmem>> -> memref<1x125xi32, #tpu.memory_space<vmem>>
      %dma_wait3A_344 = tpu.memref_squeeze %dma_wait3A_343 : memref<1x125xi32, #tpu.memory_space<vmem>> -> memref<125xi32, #tpu.memory_space<vmem>>
      %dma_wait3A_345 = arith.constant 0 : i32
      %dma_wait3A_346 = arith.constant 0 : i32
      %dma_wait3A_347 = tpu.memref_slice %arg2[%dma_wait3A_345, %dma_wait3A_346] : memref<10000x32xf32, #tpu.memory_space<hbm>> -> memref<10000x32xf32, #tpu.memory_space<hbm>>
      tpu.wait_indirect_dma semaphore(%arg7 : memref<!tpu.dma_semaphore, #tpu.memory_space<semaphore_mem>>) src(%dma_wait3A_347 : memref<10000x32xf32, #tpu.memory_space<hbm>>) dst(%dma_wait3A_341 : memref<125x32xf32, #tpu.memory_space<vmem>>)
      %dma_wait3A_348 = arith.constant 1125 : i32
      %dma_wait3A_349 = arith.constant 0 : i32
      %dma_wait3A_350 = tpu.memref_slice %arg6[%dma_wait3A_348, %dma_wait3A_349] : memref<2500x32xf32, #tpu.memory_space<vmem>> -> memref<125x32xf32, #tpu.memory_space<vmem>>
      %dma_wait3A_351 = arith.constant 0 : i32
      %dma_wait3A_352 = tpu.memref_slice %arg5[%add3A_128, %dma_wait3A_351] : memref<40x125xi32, #tpu.memory_space<vmem>> -> memref<1x125xi32, #tpu.memory_space<vmem>>
      %dma_wait3A_353 = tpu.memref_squeeze %dma_wait3A_352 : memref<1x125xi32, #tpu.memory_space<vmem>> -> memref<125xi32, #tpu.memory_space<vmem>>
      %dma_wait3A_354 = arith.constant 0 : i32
      %dma_wait3A_355 = arith.constant 0 : i32
      %dma_wait3A_356 = tpu.memref_slice %arg2[%dma_wait3A_354, %dma_wait3A_355] : memref<10000x32xf32, #tpu.memory_space<hbm>> -> memref<10000x32xf32, #tpu.memory_space<hbm>>
      tpu.wait_indirect_dma semaphore(%arg7 : memref<!tpu.dma_semaphore, #tpu.memory_space<semaphore_mem>>) src(%dma_wait3A_356 : memref<10000x32xf32, #tpu.memory_space<hbm>>) dst(%dma_wait3A_350 : memref<125x32xf32, #tpu.memory_space<vmem>>)
      %dma_wait3A_357 = arith.constant 1250 : i32
      %dma_wait3A_358 = arith.constant 0 : i32
      %dma_wait3A_359 = tpu.memref_slice %arg6[%dma_wait3A_357, %dma_wait3A_358] : memref<2500x32xf32, #tpu.memory_space<vmem>> -> memref<125x32xf32, #tpu.memory_space<vmem>>
      %dma_wait3A_360 = arith.constant 0 : i32
      %dma_wait3A_361 = tpu.memref_slice %arg5[%add3A_141, %dma_wait3A_360] : memref<40x125xi32, #tpu.memory_space<vmem>> -> memref<1x125xi32, #tpu.memory_space<vmem>>
      %dma_wait3A_362 = tpu.memref_squeeze %dma_wait3A_361 : memref<1x125xi32, #tpu.memory_space<vmem>> -> memref<125xi32, #tpu.memory_space<vmem>>
      %dma_wait3A_363 = arith.constant 0 : i32
      %dma_wait3A_364 = arith.constant 0 : i32
      %dma_wait3A_365 = tpu.memref_slice %arg2[%dma_wait3A_363, %dma_wait3A_364] : memref<10000x32xf32, #tpu.memory_space<hbm>> -> memref<10000x32xf32, #tpu.memory_space<hbm>>
      tpu.wait_indirect_dma semaphore(%arg7 : memref<!tpu.dma_semaphore, #tpu.memory_space<semaphore_mem>>) src(%dma_wait3A_365 : memref<10000x32xf32, #tpu.memory_space<hbm>>) dst(%dma_wait3A_359 : memref<125x32xf32, #tpu.memory_space<vmem>>)
      %dma_wait3A_366 = arith.constant 1375 : i32
      %dma_wait3A_367 = arith.constant 0 : i32
      %dma_wait3A_368 = tpu.memref_slice %arg6[%dma_wait3A_366, %dma_wait3A_367] : memref<2500x32xf32, #tpu.memory_space<vmem>> -> memref<125x32xf32, #tpu.memory_space<vmem>>
      %dma_wait3A_369 = arith.constant 0 : i32
      %dma_wait3A_370 = tpu.memref_slice %arg5[%add3A_154, %dma_wait3A_369] : memref<40x125xi32, #tpu.memory_space<vmem>> -> memref<1x125xi32, #tpu.memory_space<vmem>>
      %dma_wait3A_371 = tpu.memref_squeeze %dma_wait3A_370 : memref<1x125xi32, #tpu.memory_space<vmem>> -> memref<125xi32, #tpu.memory_space<vmem>>
      %dma_wait3A_372 = arith.constant 0 : i32
      %dma_wait3A_373 = arith.constant 0 : i32
      %dma_wait3A_374 = tpu.memref_slice %arg2[%dma_wait3A_372, %dma_wait3A_373] : memref<10000x32xf32, #tpu.memory_space<hbm>> -> memref<10000x32xf32, #tpu.memory_space<hbm>>
      tpu.wait_indirect_dma semaphore(%arg7 : memref<!tpu.dma_semaphore, #tpu.memory_space<semaphore_mem>>) src(%dma_wait3A_374 : memref<10000x32xf32, #tpu.memory_space<hbm>>) dst(%dma_wait3A_368 : memref<125x32xf32, #tpu.memory_space<vmem>>)
      %dma_wait3A_375 = arith.constant 1500 : i32
      %dma_wait3A_376 = arith.constant 0 : i32
      %dma_wait3A_377 = tpu.memref_slice %arg6[%dma_wait3A_375, %dma_wait3A_376] : memref<2500x32xf32, #tpu.memory_space<vmem>> -> memref<125x32xf32, #tpu.memory_space<vmem>>
      %dma_wait3A_378 = arith.constant 0 : i32
      %dma_wait3A_379 = tpu.memref_slice %arg5[%add3A_167, %dma_wait3A_378] : memref<40x125xi32, #tpu.memory_space<vmem>> -> memref<1x125xi32, #tpu.memory_space<vmem>>
      %dma_wait3A_380 = tpu.memref_squeeze %dma_wait3A_379 : memref<1x125xi32, #tpu.memory_space<vmem>> -> memref<125xi32, #tpu.memory_space<vmem>>
      %dma_wait3A_381 = arith.constant 0 : i32
      %dma_wait3A_382 = arith.constant 0 : i32
      %dma_wait3A_383 = tpu.memref_slice %arg2[%dma_wait3A_381, %dma_wait3A_382] : memref<10000x32xf32, #tpu.memory_space<hbm>> -> memref<10000x32xf32, #tpu.memory_space<hbm>>
      tpu.wait_indirect_dma semaphore(%arg7 : memref<!tpu.dma_semaphore, #tpu.memory_space<semaphore_mem>>) src(%dma_wait3A_383 : memref<10000x32xf32, #tpu.memory_space<hbm>>) dst(%dma_wait3A_377 : memref<125x32xf32, #tpu.memory_space<vmem>>)
      %dma_wait3A_384 = arith.constant 1625 : i32
      %dma_wait3A_385 = arith.constant 0 : i32
      %dma_wait3A_386 = tpu.memref_slice %arg6[%dma_wait3A_384, %dma_wait3A_385] : memref<2500x32xf32, #tpu.memory_space<vmem>> -> memref<125x32xf32, #tpu.memory_space<vmem>>
      %dma_wait3A_387 = arith.constant 0 : i32
      %dma_wait3A_388 = tpu.memref_slice %arg5[%add3A_180, %dma_wait3A_387] : memref<40x125xi32, #tpu.memory_space<vmem>> -> memref<1x125xi32, #tpu.memory_space<vmem>>
      %dma_wait3A_389 = tpu.memref_squeeze %dma_wait3A_388 : memref<1x125xi32, #tpu.memory_space<vmem>> -> memref<125xi32, #tpu.memory_space<vmem>>
      %dma_wait3A_390 = arith.constant 0 : i32
      %dma_wait3A_391 = arith.constant 0 : i32
      %dma_wait3A_392 = tpu.memref_slice %arg2[%dma_wait3A_390, %dma_wait3A_391] : memref<10000x32xf32, #tpu.memory_space<hbm>> -> memref<10000x32xf32, #tpu.memory_space<hbm>>
      tpu.wait_indirect_dma semaphore(%arg7 : memref<!tpu.dma_semaphore, #tpu.memory_space<semaphore_mem>>) src(%dma_wait3A_392 : memref<10000x32xf32, #tpu.memory_space<hbm>>) dst(%dma_wait3A_386 : memref<125x32xf32, #tpu.memory_space<vmem>>)
      %dma_wait3A_393 = arith.constant 1750 : i32
      %dma_wait3A_394 = arith.constant 0 : i32
      %dma_wait3A_395 = tpu.memref_slice %arg6[%dma_wait3A_393, %dma_wait3A_394] : memref<2500x32xf32, #tpu.memory_space<vmem>> -> memref<125x32xf32, #tpu.memory_space<vmem>>
      %dma_wait3A_396 = arith.constant 0 : i32
      %dma_wait3A_397 = tpu.memref_slice %arg5[%add3A_193, %dma_wait3A_396] : memref<40x125xi32, #tpu.memory_space<vmem>> -> memref<1x125xi32, #tpu.memory_space<vmem>>
      %dma_wait3A_398 = tpu.memref_squeeze %dma_wait3A_397 : memref<1x125xi32, #tpu.memory_space<vmem>> -> memref<125xi32, #tpu.memory_space<vmem>>
      %dma_wait3A_399 = arith.constant 0 : i32
      %dma_wait3A_400 = arith.constant 0 : i32
      %dma_wait3A_401 = tpu.memref_slice %arg2[%dma_wait3A_399, %dma_wait3A_400] : memref<10000x32xf32, #tpu.memory_space<hbm>> -> memref<10000x32xf32, #tpu.memory_space<hbm>>
      tpu.wait_indirect_dma semaphore(%arg7 : memref<!tpu.dma_semaphore, #tpu.memory_space<semaphore_mem>>) src(%dma_wait3A_401 : memref<10000x32xf32, #tpu.memory_space<hbm>>) dst(%dma_wait3A_395 : memref<125x32xf32, #tpu.memory_space<vmem>>)
      %dma_wait3A_402 = arith.constant 1875 : i32
      %dma_wait3A_403 = arith.constant 0 : i32
      %dma_wait3A_404 = tpu.memref_slice %arg6[%dma_wait3A_402, %dma_wait3A_403] : memref<2500x32xf32, #tpu.memory_space<vmem>> -> memref<125x32xf32, #tpu.memory_space<vmem>>
      %dma_wait3A_405 = arith.constant 0 : i32
      %dma_wait3A_406 = tpu.memref_slice %arg5[%add3A_206, %dma_wait3A_405] : memref<40x125xi32, #tpu.memory_space<vmem>> -> memref<1x125xi32, #tpu.memory_space<vmem>>
      %dma_wait3A_407 = tpu.memref_squeeze %dma_wait3A_406 : memref<1x125xi32, #tpu.memory_space<vmem>> -> memref<125xi32, #tpu.memory_space<vmem>>
      %dma_wait3A_408 = arith.constant 0 : i32
      %dma_wait3A_409 = arith.constant 0 : i32
      %dma_wait3A_410 = tpu.memref_slice %arg2[%dma_wait3A_408, %dma_wait3A_409] : memref<10000x32xf32, #tpu.memory_space<hbm>> -> memref<10000x32xf32, #tpu.memory_space<hbm>>
      tpu.wait_indirect_dma semaphore(%arg7 : memref<!tpu.dma_semaphore, #tpu.memory_space<semaphore_mem>>) src(%dma_wait3A_410 : memref<10000x32xf32, #tpu.memory_space<hbm>>) dst(%dma_wait3A_404 : memref<125x32xf32, #tpu.memory_space<vmem>>)
      %dma_wait3A_411 = arith.constant 2000 : i32
      %dma_wait3A_412 = arith.constant 0 : i32
      %dma_wait3A_413 = tpu.memref_slice %arg6[%dma_wait3A_411, %dma_wait3A_412] : memref<2500x32xf32, #tpu.memory_space<vmem>> -> memref<125x32xf32, #tpu.memory_space<vmem>>
      %dma_wait3A_414 = arith.constant 0 : i32
      %dma_wait3A_415 = tpu.memref_slice %arg5[%add3A_219, %dma_wait3A_414] : memref<40x125xi32, #tpu.memory_space<vmem>> -> memref<1x125xi32, #tpu.memory_space<vmem>>
      %dma_wait3A_416 = tpu.memref_squeeze %dma_wait3A_415 : memref<1x125xi32, #tpu.memory_space<vmem>> -> memref<125xi32, #tpu.memory_space<vmem>>
      %dma_wait3A_417 = arith.constant 0 : i32
      %dma_wait3A_418 = arith.constant 0 : i32
      %dma_wait3A_419 = tpu.memref_slice %arg2[%dma_wait3A_417, %dma_wait3A_418] : memref<10000x32xf32, #tpu.memory_space<hbm>> -> memref<10000x32xf32, #tpu.memory_space<hbm>>
      tpu.wait_indirect_dma semaphore(%arg7 : memref<!tpu.dma_semaphore, #tpu.memory_space<semaphore_mem>>) src(%dma_wait3A_419 : memref<10000x32xf32, #tpu.memory_space<hbm>>) dst(%dma_wait3A_413 : memref<125x32xf32, #tpu.memory_space<vmem>>)
      %dma_wait3A_420 = arith.constant 2125 : i32
      %dma_wait3A_421 = arith.constant 0 : i32
      %dma_wait3A_422 = tpu.memref_slice %arg6[%dma_wait3A_420, %dma_wait3A_421] : memref<2500x32xf32, #tpu.memory_space<vmem>> -> memref<125x32xf32, #tpu.memory_space<vmem>>
      %dma_wait3A_423 = arith.constant 0 : i32
      %dma_wait3A_424 = tpu.memref_slice %arg5[%add3A_232, %dma_wait3A_423] : memref<40x125xi32, #tpu.memory_space<vmem>> -> memref<1x125xi32, #tpu.memory_space<vmem>>
      %dma_wait3A_425 = tpu.memref_squeeze %dma_wait3A_424 : memref<1x125xi32, #tpu.memory_space<vmem>> -> memref<125xi32, #tpu.memory_space<vmem>>
      %dma_wait3A_426 = arith.constant 0 : i32
      %dma_wait3A_427 = arith.constant 0 : i32
      %dma_wait3A_428 = tpu.memref_slice %arg2[%dma_wait3A_426, %dma_wait3A_427] : memref<10000x32xf32, #tpu.memory_space<hbm>> -> memref<10000x32xf32, #tpu.memory_space<hbm>>
      tpu.wait_indirect_dma semaphore(%arg7 : memref<!tpu.dma_semaphore, #tpu.memory_space<semaphore_mem>>) src(%dma_wait3A_428 : memref<10000x32xf32, #tpu.memory_space<hbm>>) dst(%dma_wait3A_422 : memref<125x32xf32, #tpu.memory_space<vmem>>)
      %dma_wait3A_429 = arith.constant 2250 : i32
      %dma_wait3A_430 = arith.constant 0 : i32
      %dma_wait3A_431 = tpu.memref_slice %arg6[%dma_wait3A_429, %dma_wait3A_430] : memref<2500x32xf32, #tpu.memory_space<vmem>> -> memref<125x32xf32, #tpu.memory_space<vmem>>
      %dma_wait3A_432 = arith.constant 0 : i32
      %dma_wait3A_433 = tpu.memref_slice %arg5[%add3A_245, %dma_wait3A_432] : memref<40x125xi32, #tpu.memory_space<vmem>> -> memref<1x125xi32, #tpu.memory_space<vmem>>
      %dma_wait3A_434 = tpu.memref_squeeze %dma_wait3A_433 : memref<1x125xi32, #tpu.memory_space<vmem>> -> memref<125xi32, #tpu.memory_space<vmem>>
      %dma_wait3A_435 = arith.constant 0 : i32
      %dma_wait3A_436 = arith.constant 0 : i32
      %dma_wait3A_437 = tpu.memref_slice %arg2[%dma_wait3A_435, %dma_wait3A_436] : memref<10000x32xf32, #tpu.memory_space<hbm>> -> memref<10000x32xf32, #tpu.memory_space<hbm>>
      tpu.wait_indirect_dma semaphore(%arg7 : memref<!tpu.dma_semaphore, #tpu.memory_space<semaphore_mem>>) src(%dma_wait3A_437 : memref<10000x32xf32, #tpu.memory_space<hbm>>) dst(%dma_wait3A_431 : memref<125x32xf32, #tpu.memory_space<vmem>>)
      %dma_wait3A_438 = arith.constant 2375 : i32
      %dma_wait3A_439 = arith.constant 0 : i32
      %dma_wait3A_440 = tpu.memref_slice %arg6[%dma_wait3A_438, %dma_wait3A_439] : memref<2500x32xf32, #tpu.memory_space<vmem>> -> memref<125x32xf32, #tpu.memory_space<vmem>>
      %dma_wait3A_441 = arith.constant 0 : i32
      %dma_wait3A_442 = tpu.memref_slice %arg5[%add3A_258, %dma_wait3A_441] : memref<40x125xi32, #tpu.memory_space<vmem>> -> memref<1x125xi32, #tpu.memory_space<vmem>>
      %dma_wait3A_443 = tpu.memref_squeeze %dma_wait3A_442 : memref<1x125xi32, #tpu.memory_space<vmem>> -> memref<125xi32, #tpu.memory_space<vmem>>
      %dma_wait3A_444 = arith.constant 0 : i32
      %dma_wait3A_445 = arith.constant 0 : i32
      %dma_wait3A_446 = tpu.memref_slice %arg2[%dma_wait3A_444, %dma_wait3A_445] : memref<10000x32xf32, #tpu.memory_space<hbm>> -> memref<10000x32xf32, #tpu.memory_space<hbm>>
      tpu.wait_indirect_dma semaphore(%arg7 : memref<!tpu.dma_semaphore, #tpu.memory_space<semaphore_mem>>) src(%dma_wait3A_446 : memref<10000x32xf32, #tpu.memory_space<hbm>>) dst(%dma_wait3A_440 : memref<125x32xf32, #tpu.memory_space<vmem>>)
      %mul3A_447 = arith.constant 2500 : i32
      %mul3A_448 = arith.muli %scan3A_8, %mul3A_447 : i32
      %add3A_449 = arith.addi %mul3A_2, %mul3A_448 : i32
      "tpu.region"() ({
        %run_scoped3A = tpu.sem_alloc : memref<!tpu.dma_semaphore, #tpu.memory_space<semaphore_mem>>
        %dma_start3A_450 = arith.constant 0 : i32
        %dma_start3A_451 = tpu.memref_slice %arg4[%add3A_449, %dma_start3A_450] : memref<160000x32xf32, #tpu.memory_space<hbm>> -> memref<2500x32xf32, #tpu.memory_space<hbm>>
        %dma_start3A_452 = arith.constant 0 : i32
        %dma_start3A_453 = tpu.memref_slice %arg4[%add3A_449, %dma_start3A_452] : memref<160000x32xf32, #tpu.memory_space<hbm>> -> memref<2500x32xf32, #tpu.memory_space<hbm>>
        tpu.enqueue_dma source(%arg6 : memref<2500x32xf32, #tpu.memory_space<vmem>>) target(%dma_start3A_453 : memref<2500x32xf32, #tpu.memory_space<hbm>>) target_semaphore(%run_scoped3A : memref<!tpu.dma_semaphore, #tpu.memory_space<semaphore_mem>>)
        %dma_wait3A_454 = arith.constant 0 : i32
        %dma_wait3A_455 = tpu.memref_slice %arg4[%add3A_449, %dma_wait3A_454] : memref<160000x32xf32, #tpu.memory_space<hbm>> -> memref<2500x32xf32, #tpu.memory_space<hbm>>
        %dma_wait3A_456 = arith.constant 0 : i32
        %dma_wait3A_457 = tpu.memref_slice %arg4[%add3A_449, %dma_wait3A_456] : memref<160000x32xf32, #tpu.memory_space<hbm>> -> memref<2500x32xf32, #tpu.memory_space<hbm>>
        tpu.wait_dma2 semaphore(%run_scoped3A : memref<!tpu.dma_semaphore, #tpu.memory_space<semaphore_mem>>) src(%arg6 : memref<2500x32xf32, #tpu.memory_space<vmem>>) dst(%dma_wait3A_457 : memref<2500x32xf32, #tpu.memory_space<hbm>>)
        tpu.yield
      }) : () -> ()
    }
    %scan3A_7 = arith.constant 2 : i32
    return
  }
}

#map = affine_map<(d0, d1) -> (0, 0)>
#map1 = affine_map<(d0, d1) -> (0, 0, 0)>
module attributes {stable_mosaic.version = 14 : i64} {
  func.func @_sc_scatter(%arg0: i32, %arg1: i32, %arg2: memref<160000x32xf32, #tpu.memory_space<hbm>>, %arg3: memref<32x40x125xi32, #tpu.memory_space<hbm>>, %arg4: memref<10240x32xf32, #tpu.memory_space<hbm>>, %arg5: memref<2x10240x32xf32, #tpu.memory_space<hbm>>, %arg6: memref<40x125xi32, #tpu.memory_space<vmem>>, %arg7: memref<2500x32xf32, #tpu.memory_space<vmem>>, %arg8: memref<10240x32xf32, #tpu.memory_space<vmem_shared>>, %arg9: memref<!tpu.dma_semaphore, #tpu.memory_space<semaphore_mem>>) attributes {dimension_semantics = [#tpu.dimension_semantics<core_parallel>, #tpu.dimension_semantics<subcore_parallel>], iteration_bounds = array<i64: 2, 16>, scalar_prefetch = 0 : i64, scratch_operands = 4 : i64, tpu.core_type = #tpu.core_type<sc_vector_subcore>, window_params = [{transform_indices = #map}, {transform_indices = #map1}, {transform_indices = #map}, {transform_indices = #map1}]} {
    %mul3A = arith.constant 2 : i32
    %mul3A_0 = arith.muli %arg1, %mul3A : i32
    %add3A = arith.addi %mul3A_0, %arg0 : i32
    %mul3A_1 = arith.constant 5000 : i32
    %mul3A_2 = arith.muli %add3A, %mul3A_1 : i32
    %mul3A_3 = arith.constant 640 : i32
    %mul3A_4 = arith.muli %arg1, %mul3A_3 : i32
    "tpu.region"() ({
      %run_scoped3A = tpu.sem_alloc : memref<!tpu.dma_semaphore, #tpu.memory_space<semaphore_mem>>
      %dma_start3A = arith.constant 0 : i32
      %dma_start3A_11 = tpu.memref_slice %arg8[%mul3A_4, %dma_start3A] : memref<10240x32xf32, #tpu.memory_space<vmem_shared>> -> memref<640x32xf32, #tpu.memory_space<vmem_shared>>
      %dma_start3A_12 = arith.constant 0 : i32
      %dma_start3A_13 = tpu.memref_slice %arg4[%mul3A_4, %dma_start3A_12] : memref<10240x32xf32, #tpu.memory_space<hbm>> -> memref<640x32xf32, #tpu.memory_space<hbm>>
      tpu.enqueue_dma source(%dma_start3A_13 : memref<640x32xf32, #tpu.memory_space<hbm>>) target(%dma_start3A_11 : memref<640x32xf32, #tpu.memory_space<vmem_shared>>) target_semaphore(%run_scoped3A : memref<!tpu.dma_semaphore, #tpu.memory_space<semaphore_mem>>)
      %dma_wait3A = arith.constant 0 : i32
      %dma_wait3A_14 = tpu.memref_slice %arg8[%mul3A_4, %dma_wait3A] : memref<10240x32xf32, #tpu.memory_space<vmem_shared>> -> memref<640x32xf32, #tpu.memory_space<vmem_shared>>
      %dma_wait3A_15 = arith.constant 0 : i32
      %dma_wait3A_16 = tpu.memref_slice %arg4[%mul3A_4, %dma_wait3A_15] : memref<10240x32xf32, #tpu.memory_space<hbm>> -> memref<640x32xf32, #tpu.memory_space<hbm>>
      tpu.wait_dma2 semaphore(%run_scoped3A : memref<!tpu.dma_semaphore, #tpu.memory_space<semaphore_mem>>) src(%dma_wait3A_16 : memref<640x32xf32, #tpu.memory_space<hbm>>) dst(%dma_wait3A_14 : memref<640x32xf32, #tpu.memory_space<vmem_shared>>)
      tpu.yield
    }) : () -> ()
    "tpu.region"() ({
      %run_scoped3A = tpu.sem_alloc : memref<!tpu.dma_semaphore, #tpu.memory_space<semaphore_mem>>
      %dma_start3A = arith.constant 0 : i32
      %dma_start3A_11 = arith.constant 0 : i32
      %dma_start3A_12 = tpu.memref_slice %arg3[%add3A, %dma_start3A, %dma_start3A_11] : memref<32x40x125xi32, #tpu.memory_space<hbm>> -> memref<1x40x125xi32, #tpu.memory_space<hbm>>
      %dma_start3A_13 = tpu.memref_squeeze %dma_start3A_12 : memref<1x40x125xi32, #tpu.memory_space<hbm>> -> memref<40x125xi32, #tpu.memory_space<hbm>>
      %dma_start3A_14 = arith.constant 0 : i32
      %dma_start3A_15 = arith.constant 0 : i32
      %dma_start3A_16 = tpu.memref_slice %arg3[%add3A, %dma_start3A_14, %dma_start3A_15] : memref<32x40x125xi32, #tpu.memory_space<hbm>> -> memref<1x40x125xi32, #tpu.memory_space<hbm>>
      %dma_start3A_17 = tpu.memref_squeeze %dma_start3A_16 : memref<1x40x125xi32, #tpu.memory_space<hbm>> -> memref<40x125xi32, #tpu.memory_space<hbm>>
      tpu.enqueue_dma source(%dma_start3A_17 : memref<40x125xi32, #tpu.memory_space<hbm>>) target(%arg6 : memref<40x125xi32, #tpu.memory_space<vmem>>) target_semaphore(%run_scoped3A : memref<!tpu.dma_semaphore, #tpu.memory_space<semaphore_mem>>)
      %dma_wait3A = arith.constant 0 : i32
      %dma_wait3A_18 = arith.constant 0 : i32
      %dma_wait3A_19 = tpu.memref_slice %arg3[%add3A, %dma_wait3A, %dma_wait3A_18] : memref<32x40x125xi32, #tpu.memory_space<hbm>> -> memref<1x40x125xi32, #tpu.memory_space<hbm>>
      %dma_wait3A_20 = tpu.memref_squeeze %dma_wait3A_19 : memref<1x40x125xi32, #tpu.memory_space<hbm>> -> memref<40x125xi32, #tpu.memory_space<hbm>>
      %dma_wait3A_21 = arith.constant 0 : i32
      %dma_wait3A_22 = arith.constant 0 : i32
      %dma_wait3A_23 = tpu.memref_slice %arg3[%add3A, %dma_wait3A_21, %dma_wait3A_22] : memref<32x40x125xi32, #tpu.memory_space<hbm>> -> memref<1x40x125xi32, #tpu.memory_space<hbm>>
      %dma_wait3A_24 = tpu.memref_squeeze %dma_wait3A_23 : memref<1x40x125xi32, #tpu.memory_space<hbm>> -> memref<40x125xi32, #tpu.memory_space<hbm>>
      tpu.wait_dma2 semaphore(%run_scoped3A : memref<!tpu.dma_semaphore, #tpu.memory_space<semaphore_mem>>) src(%dma_wait3A_24 : memref<40x125xi32, #tpu.memory_space<hbm>>) dst(%arg6 : memref<40x125xi32, #tpu.memory_space<vmem>>)
      tpu.yield
    }) : () -> ()
    %barrier3A = arith.constant 0 : index
    tpu.barrier barrier_id(%barrier3A)
    %scan3A = arith.constant 0 : i32
    %scan3A_5 = arith.constant 0 : i32
    %scan3A_6 = arith.constant 2 : i32
    %scan3A_7 = arith.addi %scan3A_5, %scan3A_6 : i32
    %scan3A_8 = arith.constant 1 : i32
    scf.for %scan3A_11 = %scan3A_5 to %scan3A_7 step %scan3A_8  : i32 {
      %mul3A_12 = arith.constant 2500 : i32
      %mul3A_13 = arith.muli %scan3A_11, %mul3A_12 : i32
      %add3A_14 = arith.addi %mul3A_2, %mul3A_13 : i32
      "tpu.region"() ({
        %run_scoped3A = tpu.sem_alloc : memref<!tpu.dma_semaphore, #tpu.memory_space<semaphore_mem>>
        %dma_start3A_453 = arith.constant 0 : i32
        %dma_start3A_454 = tpu.memref_slice %arg2[%add3A_14, %dma_start3A_453] : memref<160000x32xf32, #tpu.memory_space<hbm>> -> memref<2500x32xf32, #tpu.memory_space<hbm>>
        %dma_start3A_455 = arith.constant 0 : i32
        %dma_start3A_456 = tpu.memref_slice %arg2[%add3A_14, %dma_start3A_455] : memref<160000x32xf32, #tpu.memory_space<hbm>> -> memref<2500x32xf32, #tpu.memory_space<hbm>>
        tpu.enqueue_dma source(%dma_start3A_456 : memref<2500x32xf32, #tpu.memory_space<hbm>>) target(%arg7 : memref<2500x32xf32, #tpu.memory_space<vmem>>) target_semaphore(%run_scoped3A : memref<!tpu.dma_semaphore, #tpu.memory_space<semaphore_mem>>)
        %dma_wait3A_457 = arith.constant 0 : i32
        %dma_wait3A_458 = tpu.memref_slice %arg2[%add3A_14, %dma_wait3A_457] : memref<160000x32xf32, #tpu.memory_space<hbm>> -> memref<2500x32xf32, #tpu.memory_space<hbm>>
        %dma_wait3A_459 = arith.constant 0 : i32
        %dma_wait3A_460 = tpu.memref_slice %arg2[%add3A_14, %dma_wait3A_459] : memref<160000x32xf32, #tpu.memory_space<hbm>> -> memref<2500x32xf32, #tpu.memory_space<hbm>>
        tpu.wait_dma2 semaphore(%run_scoped3A : memref<!tpu.dma_semaphore, #tpu.memory_space<semaphore_mem>>) src(%dma_wait3A_460 : memref<2500x32xf32, #tpu.memory_space<hbm>>) dst(%arg7 : memref<2500x32xf32, #tpu.memory_space<vmem>>)
        tpu.yield
      }) : () -> ()
      %mul3A_15 = arith.constant 20 : i32
      %mul3A_16 = arith.muli %scan3A_11, %mul3A_15 : i32
      %add3A_17 = arith.constant 0 : i32
      %add3A_18 = arith.addi %mul3A_16, %add3A_17 : i32
      %dma_start3A = arith.constant 0 : i32
      %dma_start3A_19 = arith.constant 0 : i32
      %dma_start3A_20 = tpu.memref_slice %arg7[%dma_start3A, %dma_start3A_19] : memref<2500x32xf32, #tpu.memory_space<vmem>> -> memref<125x32xf32, #tpu.memory_space<vmem>>
      %dma_start3A_21 = arith.constant 0 : i32
      %dma_start3A_22 = tpu.memref_slice %arg6[%add3A_18, %dma_start3A_21] : memref<40x125xi32, #tpu.memory_space<vmem>> -> memref<1x125xi32, #tpu.memory_space<vmem>>
      %dma_start3A_23 = tpu.memref_squeeze %dma_start3A_22 : memref<1x125xi32, #tpu.memory_space<vmem>> -> memref<125xi32, #tpu.memory_space<vmem>>
      %dma_start3A_24 = arith.constant 0 : i32
      %dma_start3A_25 = arith.constant 0 : i32
      %dma_start3A_26 = tpu.memref_slice %arg8[%dma_start3A_24, %dma_start3A_25] : memref<10240x32xf32, #tpu.memory_space<vmem_shared>> -> memref<10240x32xf32, #tpu.memory_space<vmem_shared>>
      tpu.enqueue_indirect_dma source(%dma_start3A_20 : memref<125x32xf32, #tpu.memory_space<vmem>>) target(%dma_start3A_26 : memref<10240x32xf32, #tpu.memory_space<vmem_shared>>) offsets(%dma_start3A_23 : memref<125xi32, #tpu.memory_space<vmem>>) semaphore(%arg9 : memref<!tpu.dma_semaphore, #tpu.memory_space<semaphore_mem>>) {add = true}
      %mul3A_27 = arith.constant 20 : i32
      %mul3A_28 = arith.muli %scan3A_11, %mul3A_27 : i32
      %add3A_29 = arith.constant 1 : i32
      %add3A_30 = arith.addi %mul3A_28, %add3A_29 : i32
      %dma_start3A_31 = arith.constant 125 : i32
      %dma_start3A_32 = arith.constant 0 : i32
      %dma_start3A_33 = tpu.memref_slice %arg7[%dma_start3A_31, %dma_start3A_32] : memref<2500x32xf32, #tpu.memory_space<vmem>> -> memref<125x32xf32, #tpu.memory_space<vmem>>
      %dma_start3A_34 = arith.constant 0 : i32
      %dma_start3A_35 = tpu.memref_slice %arg6[%add3A_30, %dma_start3A_34] : memref<40x125xi32, #tpu.memory_space<vmem>> -> memref<1x125xi32, #tpu.memory_space<vmem>>
      %dma_start3A_36 = tpu.memref_squeeze %dma_start3A_35 : memref<1x125xi32, #tpu.memory_space<vmem>> -> memref<125xi32, #tpu.memory_space<vmem>>
      %dma_start3A_37 = arith.constant 0 : i32
      %dma_start3A_38 = arith.constant 0 : i32
      %dma_start3A_39 = tpu.memref_slice %arg8[%dma_start3A_37, %dma_start3A_38] : memref<10240x32xf32, #tpu.memory_space<vmem_shared>> -> memref<10240x32xf32, #tpu.memory_space<vmem_shared>>
      tpu.enqueue_indirect_dma source(%dma_start3A_33 : memref<125x32xf32, #tpu.memory_space<vmem>>) target(%dma_start3A_39 : memref<10240x32xf32, #tpu.memory_space<vmem_shared>>) offsets(%dma_start3A_36 : memref<125xi32, #tpu.memory_space<vmem>>) semaphore(%arg9 : memref<!tpu.dma_semaphore, #tpu.memory_space<semaphore_mem>>) {add = true}
      %mul3A_40 = arith.constant 20 : i32
      %mul3A_41 = arith.muli %scan3A_11, %mul3A_40 : i32
      %add3A_42 = arith.constant 2 : i32
      %add3A_43 = arith.addi %mul3A_41, %add3A_42 : i32
      %dma_start3A_44 = arith.constant 250 : i32
      %dma_start3A_45 = arith.constant 0 : i32
      %dma_start3A_46 = tpu.memref_slice %arg7[%dma_start3A_44, %dma_start3A_45] : memref<2500x32xf32, #tpu.memory_space<vmem>> -> memref<125x32xf32, #tpu.memory_space<vmem>>
      %dma_start3A_47 = arith.constant 0 : i32
      %dma_start3A_48 = tpu.memref_slice %arg6[%add3A_43, %dma_start3A_47] : memref<40x125xi32, #tpu.memory_space<vmem>> -> memref<1x125xi32, #tpu.memory_space<vmem>>
      %dma_start3A_49 = tpu.memref_squeeze %dma_start3A_48 : memref<1x125xi32, #tpu.memory_space<vmem>> -> memref<125xi32, #tpu.memory_space<vmem>>
      %dma_start3A_50 = arith.constant 0 : i32
      %dma_start3A_51 = arith.constant 0 : i32
      %dma_start3A_52 = tpu.memref_slice %arg8[%dma_start3A_50, %dma_start3A_51] : memref<10240x32xf32, #tpu.memory_space<vmem_shared>> -> memref<10240x32xf32, #tpu.memory_space<vmem_shared>>
      tpu.enqueue_indirect_dma source(%dma_start3A_46 : memref<125x32xf32, #tpu.memory_space<vmem>>) target(%dma_start3A_52 : memref<10240x32xf32, #tpu.memory_space<vmem_shared>>) offsets(%dma_start3A_49 : memref<125xi32, #tpu.memory_space<vmem>>) semaphore(%arg9 : memref<!tpu.dma_semaphore, #tpu.memory_space<semaphore_mem>>) {add = true}
      %mul3A_53 = arith.constant 20 : i32
      %mul3A_54 = arith.muli %scan3A_11, %mul3A_53 : i32
      %add3A_55 = arith.constant 3 : i32
      %add3A_56 = arith.addi %mul3A_54, %add3A_55 : i32
      %dma_start3A_57 = arith.constant 375 : i32
      %dma_start3A_58 = arith.constant 0 : i32
      %dma_start3A_59 = tpu.memref_slice %arg7[%dma_start3A_57, %dma_start3A_58] : memref<2500x32xf32, #tpu.memory_space<vmem>> -> memref<125x32xf32, #tpu.memory_space<vmem>>
      %dma_start3A_60 = arith.constant 0 : i32
      %dma_start3A_61 = tpu.memref_slice %arg6[%add3A_56, %dma_start3A_60] : memref<40x125xi32, #tpu.memory_space<vmem>> -> memref<1x125xi32, #tpu.memory_space<vmem>>
      %dma_start3A_62 = tpu.memref_squeeze %dma_start3A_61 : memref<1x125xi32, #tpu.memory_space<vmem>> -> memref<125xi32, #tpu.memory_space<vmem>>
      %dma_start3A_63 = arith.constant 0 : i32
      %dma_start3A_64 = arith.constant 0 : i32
      %dma_start3A_65 = tpu.memref_slice %arg8[%dma_start3A_63, %dma_start3A_64] : memref<10240x32xf32, #tpu.memory_space<vmem_shared>> -> memref<10240x32xf32, #tpu.memory_space<vmem_shared>>
      tpu.enqueue_indirect_dma source(%dma_start3A_59 : memref<125x32xf32, #tpu.memory_space<vmem>>) target(%dma_start3A_65 : memref<10240x32xf32, #tpu.memory_space<vmem_shared>>) offsets(%dma_start3A_62 : memref<125xi32, #tpu.memory_space<vmem>>) semaphore(%arg9 : memref<!tpu.dma_semaphore, #tpu.memory_space<semaphore_mem>>) {add = true}
      %mul3A_66 = arith.constant 20 : i32
      %mul3A_67 = arith.muli %scan3A_11, %mul3A_66 : i32
      %add3A_68 = arith.constant 4 : i32
      %add3A_69 = arith.addi %mul3A_67, %add3A_68 : i32
      %dma_start3A_70 = arith.constant 500 : i32
      %dma_start3A_71 = arith.constant 0 : i32
      %dma_start3A_72 = tpu.memref_slice %arg7[%dma_start3A_70, %dma_start3A_71] : memref<2500x32xf32, #tpu.memory_space<vmem>> -> memref<125x32xf32, #tpu.memory_space<vmem>>
      %dma_start3A_73 = arith.constant 0 : i32
      %dma_start3A_74 = tpu.memref_slice %arg6[%add3A_69, %dma_start3A_73] : memref<40x125xi32, #tpu.memory_space<vmem>> -> memref<1x125xi32, #tpu.memory_space<vmem>>
      %dma_start3A_75 = tpu.memref_squeeze %dma_start3A_74 : memref<1x125xi32, #tpu.memory_space<vmem>> -> memref<125xi32, #tpu.memory_space<vmem>>
      %dma_start3A_76 = arith.constant 0 : i32
      %dma_start3A_77 = arith.constant 0 : i32
      %dma_start3A_78 = tpu.memref_slice %arg8[%dma_start3A_76, %dma_start3A_77] : memref<10240x32xf32, #tpu.memory_space<vmem_shared>> -> memref<10240x32xf32, #tpu.memory_space<vmem_shared>>
      tpu.enqueue_indirect_dma source(%dma_start3A_72 : memref<125x32xf32, #tpu.memory_space<vmem>>) target(%dma_start3A_78 : memref<10240x32xf32, #tpu.memory_space<vmem_shared>>) offsets(%dma_start3A_75 : memref<125xi32, #tpu.memory_space<vmem>>) semaphore(%arg9 : memref<!tpu.dma_semaphore, #tpu.memory_space<semaphore_mem>>) {add = true}
      %mul3A_79 = arith.constant 20 : i32
      %mul3A_80 = arith.muli %scan3A_11, %mul3A_79 : i32
      %add3A_81 = arith.constant 5 : i32
      %add3A_82 = arith.addi %mul3A_80, %add3A_81 : i32
      %dma_start3A_83 = arith.constant 625 : i32
      %dma_start3A_84 = arith.constant 0 : i32
      %dma_start3A_85 = tpu.memref_slice %arg7[%dma_start3A_83, %dma_start3A_84] : memref<2500x32xf32, #tpu.memory_space<vmem>> -> memref<125x32xf32, #tpu.memory_space<vmem>>
      %dma_start3A_86 = arith.constant 0 : i32
      %dma_start3A_87 = tpu.memref_slice %arg6[%add3A_82, %dma_start3A_86] : memref<40x125xi32, #tpu.memory_space<vmem>> -> memref<1x125xi32, #tpu.memory_space<vmem>>
      %dma_start3A_88 = tpu.memref_squeeze %dma_start3A_87 : memref<1x125xi32, #tpu.memory_space<vmem>> -> memref<125xi32, #tpu.memory_space<vmem>>
      %dma_start3A_89 = arith.constant 0 : i32
      %dma_start3A_90 = arith.constant 0 : i32
      %dma_start3A_91 = tpu.memref_slice %arg8[%dma_start3A_89, %dma_start3A_90] : memref<10240x32xf32, #tpu.memory_space<vmem_shared>> -> memref<10240x32xf32, #tpu.memory_space<vmem_shared>>
      tpu.enqueue_indirect_dma source(%dma_start3A_85 : memref<125x32xf32, #tpu.memory_space<vmem>>) target(%dma_start3A_91 : memref<10240x32xf32, #tpu.memory_space<vmem_shared>>) offsets(%dma_start3A_88 : memref<125xi32, #tpu.memory_space<vmem>>) semaphore(%arg9 : memref<!tpu.dma_semaphore, #tpu.memory_space<semaphore_mem>>) {add = true}
      %mul3A_92 = arith.constant 20 : i32
      %mul3A_93 = arith.muli %scan3A_11, %mul3A_92 : i32
      %add3A_94 = arith.constant 6 : i32
      %add3A_95 = arith.addi %mul3A_93, %add3A_94 : i32
      %dma_start3A_96 = arith.constant 750 : i32
      %dma_start3A_97 = arith.constant 0 : i32
      %dma_start3A_98 = tpu.memref_slice %arg7[%dma_start3A_96, %dma_start3A_97] : memref<2500x32xf32, #tpu.memory_space<vmem>> -> memref<125x32xf32, #tpu.memory_space<vmem>>
      %dma_start3A_99 = arith.constant 0 : i32
      %dma_start3A_100 = tpu.memref_slice %arg6[%add3A_95, %dma_start3A_99] : memref<40x125xi32, #tpu.memory_space<vmem>> -> memref<1x125xi32, #tpu.memory_space<vmem>>
      %dma_start3A_101 = tpu.memref_squeeze %dma_start3A_100 : memref<1x125xi32, #tpu.memory_space<vmem>> -> memref<125xi32, #tpu.memory_space<vmem>>
      %dma_start3A_102 = arith.constant 0 : i32
      %dma_start3A_103 = arith.constant 0 : i32
      %dma_start3A_104 = tpu.memref_slice %arg8[%dma_start3A_102, %dma_start3A_103] : memref<10240x32xf32, #tpu.memory_space<vmem_shared>> -> memref<10240x32xf32, #tpu.memory_space<vmem_shared>>
      tpu.enqueue_indirect_dma source(%dma_start3A_98 : memref<125x32xf32, #tpu.memory_space<vmem>>) target(%dma_start3A_104 : memref<10240x32xf32, #tpu.memory_space<vmem_shared>>) offsets(%dma_start3A_101 : memref<125xi32, #tpu.memory_space<vmem>>) semaphore(%arg9 : memref<!tpu.dma_semaphore, #tpu.memory_space<semaphore_mem>>) {add = true}
      %mul3A_105 = arith.constant 20 : i32
      %mul3A_106 = arith.muli %scan3A_11, %mul3A_105 : i32
      %add3A_107 = arith.constant 7 : i32
      %add3A_108 = arith.addi %mul3A_106, %add3A_107 : i32
      %dma_start3A_109 = arith.constant 875 : i32
      %dma_start3A_110 = arith.constant 0 : i32
      %dma_start3A_111 = tpu.memref_slice %arg7[%dma_start3A_109, %dma_start3A_110] : memref<2500x32xf32, #tpu.memory_space<vmem>> -> memref<125x32xf32, #tpu.memory_space<vmem>>
      %dma_start3A_112 = arith.constant 0 : i32
      %dma_start3A_113 = tpu.memref_slice %arg6[%add3A_108, %dma_start3A_112] : memref<40x125xi32, #tpu.memory_space<vmem>> -> memref<1x125xi32, #tpu.memory_space<vmem>>
      %dma_start3A_114 = tpu.memref_squeeze %dma_start3A_113 : memref<1x125xi32, #tpu.memory_space<vmem>> -> memref<125xi32, #tpu.memory_space<vmem>>
      %dma_start3A_115 = arith.constant 0 : i32
      %dma_start3A_116 = arith.constant 0 : i32
      %dma_start3A_117 = tpu.memref_slice %arg8[%dma_start3A_115, %dma_start3A_116] : memref<10240x32xf32, #tpu.memory_space<vmem_shared>> -> memref<10240x32xf32, #tpu.memory_space<vmem_shared>>
      tpu.enqueue_indirect_dma source(%dma_start3A_111 : memref<125x32xf32, #tpu.memory_space<vmem>>) target(%dma_start3A_117 : memref<10240x32xf32, #tpu.memory_space<vmem_shared>>) offsets(%dma_start3A_114 : memref<125xi32, #tpu.memory_space<vmem>>) semaphore(%arg9 : memref<!tpu.dma_semaphore, #tpu.memory_space<semaphore_mem>>) {add = true}
      %mul3A_118 = arith.constant 20 : i32
      %mul3A_119 = arith.muli %scan3A_11, %mul3A_118 : i32
      %add3A_120 = arith.constant 8 : i32
      %add3A_121 = arith.addi %mul3A_119, %add3A_120 : i32
      %dma_start3A_122 = arith.constant 1000 : i32
      %dma_start3A_123 = arith.constant 0 : i32
      %dma_start3A_124 = tpu.memref_slice %arg7[%dma_start3A_122, %dma_start3A_123] : memref<2500x32xf32, #tpu.memory_space<vmem>> -> memref<125x32xf32, #tpu.memory_space<vmem>>
      %dma_start3A_125 = arith.constant 0 : i32
      %dma_start3A_126 = tpu.memref_slice %arg6[%add3A_121, %dma_start3A_125] : memref<40x125xi32, #tpu.memory_space<vmem>> -> memref<1x125xi32, #tpu.memory_space<vmem>>
      %dma_start3A_127 = tpu.memref_squeeze %dma_start3A_126 : memref<1x125xi32, #tpu.memory_space<vmem>> -> memref<125xi32, #tpu.memory_space<vmem>>
      %dma_start3A_128 = arith.constant 0 : i32
      %dma_start3A_129 = arith.constant 0 : i32
      %dma_start3A_130 = tpu.memref_slice %arg8[%dma_start3A_128, %dma_start3A_129] : memref<10240x32xf32, #tpu.memory_space<vmem_shared>> -> memref<10240x32xf32, #tpu.memory_space<vmem_shared>>
      tpu.enqueue_indirect_dma source(%dma_start3A_124 : memref<125x32xf32, #tpu.memory_space<vmem>>) target(%dma_start3A_130 : memref<10240x32xf32, #tpu.memory_space<vmem_shared>>) offsets(%dma_start3A_127 : memref<125xi32, #tpu.memory_space<vmem>>) semaphore(%arg9 : memref<!tpu.dma_semaphore, #tpu.memory_space<semaphore_mem>>) {add = true}
      %mul3A_131 = arith.constant 20 : i32
      %mul3A_132 = arith.muli %scan3A_11, %mul3A_131 : i32
      %add3A_133 = arith.constant 9 : i32
      %add3A_134 = arith.addi %mul3A_132, %add3A_133 : i32
      %dma_start3A_135 = arith.constant 1125 : i32
      %dma_start3A_136 = arith.constant 0 : i32
      %dma_start3A_137 = tpu.memref_slice %arg7[%dma_start3A_135, %dma_start3A_136] : memref<2500x32xf32, #tpu.memory_space<vmem>> -> memref<125x32xf32, #tpu.memory_space<vmem>>
      %dma_start3A_138 = arith.constant 0 : i32
      %dma_start3A_139 = tpu.memref_slice %arg6[%add3A_134, %dma_start3A_138] : memref<40x125xi32, #tpu.memory_space<vmem>> -> memref<1x125xi32, #tpu.memory_space<vmem>>
      %dma_start3A_140 = tpu.memref_squeeze %dma_start3A_139 : memref<1x125xi32, #tpu.memory_space<vmem>> -> memref<125xi32, #tpu.memory_space<vmem>>
      %dma_start3A_141 = arith.constant 0 : i32
      %dma_start3A_142 = arith.constant 0 : i32
      %dma_start3A_143 = tpu.memref_slice %arg8[%dma_start3A_141, %dma_start3A_142] : memref<10240x32xf32, #tpu.memory_space<vmem_shared>> -> memref<10240x32xf32, #tpu.memory_space<vmem_shared>>
      tpu.enqueue_indirect_dma source(%dma_start3A_137 : memref<125x32xf32, #tpu.memory_space<vmem>>) target(%dma_start3A_143 : memref<10240x32xf32, #tpu.memory_space<vmem_shared>>) offsets(%dma_start3A_140 : memref<125xi32, #tpu.memory_space<vmem>>) semaphore(%arg9 : memref<!tpu.dma_semaphore, #tpu.memory_space<semaphore_mem>>) {add = true}
      %mul3A_144 = arith.constant 20 : i32
      %mul3A_145 = arith.muli %scan3A_11, %mul3A_144 : i32
      %add3A_146 = arith.constant 10 : i32
      %add3A_147 = arith.addi %mul3A_145, %add3A_146 : i32
      %dma_start3A_148 = arith.constant 1250 : i32
      %dma_start3A_149 = arith.constant 0 : i32
      %dma_start3A_150 = tpu.memref_slice %arg7[%dma_start3A_148, %dma_start3A_149] : memref<2500x32xf32, #tpu.memory_space<vmem>> -> memref<125x32xf32, #tpu.memory_space<vmem>>
      %dma_start3A_151 = arith.constant 0 : i32
      %dma_start3A_152 = tpu.memref_slice %arg6[%add3A_147, %dma_start3A_151] : memref<40x125xi32, #tpu.memory_space<vmem>> -> memref<1x125xi32, #tpu.memory_space<vmem>>
      %dma_start3A_153 = tpu.memref_squeeze %dma_start3A_152 : memref<1x125xi32, #tpu.memory_space<vmem>> -> memref<125xi32, #tpu.memory_space<vmem>>
      %dma_start3A_154 = arith.constant 0 : i32
      %dma_start3A_155 = arith.constant 0 : i32
      %dma_start3A_156 = tpu.memref_slice %arg8[%dma_start3A_154, %dma_start3A_155] : memref<10240x32xf32, #tpu.memory_space<vmem_shared>> -> memref<10240x32xf32, #tpu.memory_space<vmem_shared>>
      tpu.enqueue_indirect_dma source(%dma_start3A_150 : memref<125x32xf32, #tpu.memory_space<vmem>>) target(%dma_start3A_156 : memref<10240x32xf32, #tpu.memory_space<vmem_shared>>) offsets(%dma_start3A_153 : memref<125xi32, #tpu.memory_space<vmem>>) semaphore(%arg9 : memref<!tpu.dma_semaphore, #tpu.memory_space<semaphore_mem>>) {add = true}
      %mul3A_157 = arith.constant 20 : i32
      %mul3A_158 = arith.muli %scan3A_11, %mul3A_157 : i32
      %add3A_159 = arith.constant 11 : i32
      %add3A_160 = arith.addi %mul3A_158, %add3A_159 : i32
      %dma_start3A_161 = arith.constant 1375 : i32
      %dma_start3A_162 = arith.constant 0 : i32
      %dma_start3A_163 = tpu.memref_slice %arg7[%dma_start3A_161, %dma_start3A_162] : memref<2500x32xf32, #tpu.memory_space<vmem>> -> memref<125x32xf32, #tpu.memory_space<vmem>>
      %dma_start3A_164 = arith.constant 0 : i32
      %dma_start3A_165 = tpu.memref_slice %arg6[%add3A_160, %dma_start3A_164] : memref<40x125xi32, #tpu.memory_space<vmem>> -> memref<1x125xi32, #tpu.memory_space<vmem>>
      %dma_start3A_166 = tpu.memref_squeeze %dma_start3A_165 : memref<1x125xi32, #tpu.memory_space<vmem>> -> memref<125xi32, #tpu.memory_space<vmem>>
      %dma_start3A_167 = arith.constant 0 : i32
      %dma_start3A_168 = arith.constant 0 : i32
      %dma_start3A_169 = tpu.memref_slice %arg8[%dma_start3A_167, %dma_start3A_168] : memref<10240x32xf32, #tpu.memory_space<vmem_shared>> -> memref<10240x32xf32, #tpu.memory_space<vmem_shared>>
      tpu.enqueue_indirect_dma source(%dma_start3A_163 : memref<125x32xf32, #tpu.memory_space<vmem>>) target(%dma_start3A_169 : memref<10240x32xf32, #tpu.memory_space<vmem_shared>>) offsets(%dma_start3A_166 : memref<125xi32, #tpu.memory_space<vmem>>) semaphore(%arg9 : memref<!tpu.dma_semaphore, #tpu.memory_space<semaphore_mem>>) {add = true}
      %mul3A_170 = arith.constant 20 : i32
      %mul3A_171 = arith.muli %scan3A_11, %mul3A_170 : i32
      %add3A_172 = arith.constant 12 : i32
      %add3A_173 = arith.addi %mul3A_171, %add3A_172 : i32
      %dma_start3A_174 = arith.constant 1500 : i32
      %dma_start3A_175 = arith.constant 0 : i32
      %dma_start3A_176 = tpu.memref_slice %arg7[%dma_start3A_174, %dma_start3A_175] : memref<2500x32xf32, #tpu.memory_space<vmem>> -> memref<125x32xf32, #tpu.memory_space<vmem>>
      %dma_start3A_177 = arith.constant 0 : i32
      %dma_start3A_178 = tpu.memref_slice %arg6[%add3A_173, %dma_start3A_177] : memref<40x125xi32, #tpu.memory_space<vmem>> -> memref<1x125xi32, #tpu.memory_space<vmem>>
      %dma_start3A_179 = tpu.memref_squeeze %dma_start3A_178 : memref<1x125xi32, #tpu.memory_space<vmem>> -> memref<125xi32, #tpu.memory_space<vmem>>
      %dma_start3A_180 = arith.constant 0 : i32
      %dma_start3A_181 = arith.constant 0 : i32
      %dma_start3A_182 = tpu.memref_slice %arg8[%dma_start3A_180, %dma_start3A_181] : memref<10240x32xf32, #tpu.memory_space<vmem_shared>> -> memref<10240x32xf32, #tpu.memory_space<vmem_shared>>
      tpu.enqueue_indirect_dma source(%dma_start3A_176 : memref<125x32xf32, #tpu.memory_space<vmem>>) target(%dma_start3A_182 : memref<10240x32xf32, #tpu.memory_space<vmem_shared>>) offsets(%dma_start3A_179 : memref<125xi32, #tpu.memory_space<vmem>>) semaphore(%arg9 : memref<!tpu.dma_semaphore, #tpu.memory_space<semaphore_mem>>) {add = true}
      %mul3A_183 = arith.constant 20 : i32
      %mul3A_184 = arith.muli %scan3A_11, %mul3A_183 : i32
      %add3A_185 = arith.constant 13 : i32
      %add3A_186 = arith.addi %mul3A_184, %add3A_185 : i32
      %dma_start3A_187 = arith.constant 1625 : i32
      %dma_start3A_188 = arith.constant 0 : i32
      %dma_start3A_189 = tpu.memref_slice %arg7[%dma_start3A_187, %dma_start3A_188] : memref<2500x32xf32, #tpu.memory_space<vmem>> -> memref<125x32xf32, #tpu.memory_space<vmem>>
      %dma_start3A_190 = arith.constant 0 : i32
      %dma_start3A_191 = tpu.memref_slice %arg6[%add3A_186, %dma_start3A_190] : memref<40x125xi32, #tpu.memory_space<vmem>> -> memref<1x125xi32, #tpu.memory_space<vmem>>
      %dma_start3A_192 = tpu.memref_squeeze %dma_start3A_191 : memref<1x125xi32, #tpu.memory_space<vmem>> -> memref<125xi32, #tpu.memory_space<vmem>>
      %dma_start3A_193 = arith.constant 0 : i32
      %dma_start3A_194 = arith.constant 0 : i32
      %dma_start3A_195 = tpu.memref_slice %arg8[%dma_start3A_193, %dma_start3A_194] : memref<10240x32xf32, #tpu.memory_space<vmem_shared>> -> memref<10240x32xf32, #tpu.memory_space<vmem_shared>>
      tpu.enqueue_indirect_dma source(%dma_start3A_189 : memref<125x32xf32, #tpu.memory_space<vmem>>) target(%dma_start3A_195 : memref<10240x32xf32, #tpu.memory_space<vmem_shared>>) offsets(%dma_start3A_192 : memref<125xi32, #tpu.memory_space<vmem>>) semaphore(%arg9 : memref<!tpu.dma_semaphore, #tpu.memory_space<semaphore_mem>>) {add = true}
      %mul3A_196 = arith.constant 20 : i32
      %mul3A_197 = arith.muli %scan3A_11, %mul3A_196 : i32
      %add3A_198 = arith.constant 14 : i32
      %add3A_199 = arith.addi %mul3A_197, %add3A_198 : i32
      %dma_start3A_200 = arith.constant 1750 : i32
      %dma_start3A_201 = arith.constant 0 : i32
      %dma_start3A_202 = tpu.memref_slice %arg7[%dma_start3A_200, %dma_start3A_201] : memref<2500x32xf32, #tpu.memory_space<vmem>> -> memref<125x32xf32, #tpu.memory_space<vmem>>
      %dma_start3A_203 = arith.constant 0 : i32
      %dma_start3A_204 = tpu.memref_slice %arg6[%add3A_199, %dma_start3A_203] : memref<40x125xi32, #tpu.memory_space<vmem>> -> memref<1x125xi32, #tpu.memory_space<vmem>>
      %dma_start3A_205 = tpu.memref_squeeze %dma_start3A_204 : memref<1x125xi32, #tpu.memory_space<vmem>> -> memref<125xi32, #tpu.memory_space<vmem>>
      %dma_start3A_206 = arith.constant 0 : i32
      %dma_start3A_207 = arith.constant 0 : i32
      %dma_start3A_208 = tpu.memref_slice %arg8[%dma_start3A_206, %dma_start3A_207] : memref<10240x32xf32, #tpu.memory_space<vmem_shared>> -> memref<10240x32xf32, #tpu.memory_space<vmem_shared>>
      tpu.enqueue_indirect_dma source(%dma_start3A_202 : memref<125x32xf32, #tpu.memory_space<vmem>>) target(%dma_start3A_208 : memref<10240x32xf32, #tpu.memory_space<vmem_shared>>) offsets(%dma_start3A_205 : memref<125xi32, #tpu.memory_space<vmem>>) semaphore(%arg9 : memref<!tpu.dma_semaphore, #tpu.memory_space<semaphore_mem>>) {add = true}
      %mul3A_209 = arith.constant 20 : i32
      %mul3A_210 = arith.muli %scan3A_11, %mul3A_209 : i32
      %add3A_211 = arith.constant 15 : i32
      %add3A_212 = arith.addi %mul3A_210, %add3A_211 : i32
      %dma_start3A_213 = arith.constant 1875 : i32
      %dma_start3A_214 = arith.constant 0 : i32
      %dma_start3A_215 = tpu.memref_slice %arg7[%dma_start3A_213, %dma_start3A_214] : memref<2500x32xf32, #tpu.memory_space<vmem>> -> memref<125x32xf32, #tpu.memory_space<vmem>>
      %dma_start3A_216 = arith.constant 0 : i32
      %dma_start3A_217 = tpu.memref_slice %arg6[%add3A_212, %dma_start3A_216] : memref<40x125xi32, #tpu.memory_space<vmem>> -> memref<1x125xi32, #tpu.memory_space<vmem>>
      %dma_start3A_218 = tpu.memref_squeeze %dma_start3A_217 : memref<1x125xi32, #tpu.memory_space<vmem>> -> memref<125xi32, #tpu.memory_space<vmem>>
      %dma_start3A_219 = arith.constant 0 : i32
      %dma_start3A_220 = arith.constant 0 : i32
      %dma_start3A_221 = tpu.memref_slice %arg8[%dma_start3A_219, %dma_start3A_220] : memref<10240x32xf32, #tpu.memory_space<vmem_shared>> -> memref<10240x32xf32, #tpu.memory_space<vmem_shared>>
      tpu.enqueue_indirect_dma source(%dma_start3A_215 : memref<125x32xf32, #tpu.memory_space<vmem>>) target(%dma_start3A_221 : memref<10240x32xf32, #tpu.memory_space<vmem_shared>>) offsets(%dma_start3A_218 : memref<125xi32, #tpu.memory_space<vmem>>) semaphore(%arg9 : memref<!tpu.dma_semaphore, #tpu.memory_space<semaphore_mem>>) {add = true}
      %mul3A_222 = arith.constant 20 : i32
      %mul3A_223 = arith.muli %scan3A_11, %mul3A_222 : i32
      %add3A_224 = arith.constant 16 : i32
      %add3A_225 = arith.addi %mul3A_223, %add3A_224 : i32
      %dma_start3A_226 = arith.constant 2000 : i32
      %dma_start3A_227 = arith.constant 0 : i32
      %dma_start3A_228 = tpu.memref_slice %arg7[%dma_start3A_226, %dma_start3A_227] : memref<2500x32xf32, #tpu.memory_space<vmem>> -> memref<125x32xf32, #tpu.memory_space<vmem>>
      %dma_start3A_229 = arith.constant 0 : i32
      %dma_start3A_230 = tpu.memref_slice %arg6[%add3A_225, %dma_start3A_229] : memref<40x125xi32, #tpu.memory_space<vmem>> -> memref<1x125xi32, #tpu.memory_space<vmem>>
      %dma_start3A_231 = tpu.memref_squeeze %dma_start3A_230 : memref<1x125xi32, #tpu.memory_space<vmem>> -> memref<125xi32, #tpu.memory_space<vmem>>
      %dma_start3A_232 = arith.constant 0 : i32
      %dma_start3A_233 = arith.constant 0 : i32
      %dma_start3A_234 = tpu.memref_slice %arg8[%dma_start3A_232, %dma_start3A_233] : memref<10240x32xf32, #tpu.memory_space<vmem_shared>> -> memref<10240x32xf32, #tpu.memory_space<vmem_shared>>
      tpu.enqueue_indirect_dma source(%dma_start3A_228 : memref<125x32xf32, #tpu.memory_space<vmem>>) target(%dma_start3A_234 : memref<10240x32xf32, #tpu.memory_space<vmem_shared>>) offsets(%dma_start3A_231 : memref<125xi32, #tpu.memory_space<vmem>>) semaphore(%arg9 : memref<!tpu.dma_semaphore, #tpu.memory_space<semaphore_mem>>) {add = true}
      %mul3A_235 = arith.constant 20 : i32
      %mul3A_236 = arith.muli %scan3A_11, %mul3A_235 : i32
      %add3A_237 = arith.constant 17 : i32
      %add3A_238 = arith.addi %mul3A_236, %add3A_237 : i32
      %dma_start3A_239 = arith.constant 2125 : i32
      %dma_start3A_240 = arith.constant 0 : i32
      %dma_start3A_241 = tpu.memref_slice %arg7[%dma_start3A_239, %dma_start3A_240] : memref<2500x32xf32, #tpu.memory_space<vmem>> -> memref<125x32xf32, #tpu.memory_space<vmem>>
      %dma_start3A_242 = arith.constant 0 : i32
      %dma_start3A_243 = tpu.memref_slice %arg6[%add3A_238, %dma_start3A_242] : memref<40x125xi32, #tpu.memory_space<vmem>> -> memref<1x125xi32, #tpu.memory_space<vmem>>
      %dma_start3A_244 = tpu.memref_squeeze %dma_start3A_243 : memref<1x125xi32, #tpu.memory_space<vmem>> -> memref<125xi32, #tpu.memory_space<vmem>>
      %dma_start3A_245 = arith.constant 0 : i32
      %dma_start3A_246 = arith.constant 0 : i32
      %dma_start3A_247 = tpu.memref_slice %arg8[%dma_start3A_245, %dma_start3A_246] : memref<10240x32xf32, #tpu.memory_space<vmem_shared>> -> memref<10240x32xf32, #tpu.memory_space<vmem_shared>>
      tpu.enqueue_indirect_dma source(%dma_start3A_241 : memref<125x32xf32, #tpu.memory_space<vmem>>) target(%dma_start3A_247 : memref<10240x32xf32, #tpu.memory_space<vmem_shared>>) offsets(%dma_start3A_244 : memref<125xi32, #tpu.memory_space<vmem>>) semaphore(%arg9 : memref<!tpu.dma_semaphore, #tpu.memory_space<semaphore_mem>>) {add = true}
      %mul3A_248 = arith.constant 20 : i32
      %mul3A_249 = arith.muli %scan3A_11, %mul3A_248 : i32
      %add3A_250 = arith.constant 18 : i32
      %add3A_251 = arith.addi %mul3A_249, %add3A_250 : i32
      %dma_start3A_252 = arith.constant 2250 : i32
      %dma_start3A_253 = arith.constant 0 : i32
      %dma_start3A_254 = tpu.memref_slice %arg7[%dma_start3A_252, %dma_start3A_253] : memref<2500x32xf32, #tpu.memory_space<vmem>> -> memref<125x32xf32, #tpu.memory_space<vmem>>
      %dma_start3A_255 = arith.constant 0 : i32
      %dma_start3A_256 = tpu.memref_slice %arg6[%add3A_251, %dma_start3A_255] : memref<40x125xi32, #tpu.memory_space<vmem>> -> memref<1x125xi32, #tpu.memory_space<vmem>>
      %dma_start3A_257 = tpu.memref_squeeze %dma_start3A_256 : memref<1x125xi32, #tpu.memory_space<vmem>> -> memref<125xi32, #tpu.memory_space<vmem>>
      %dma_start3A_258 = arith.constant 0 : i32
      %dma_start3A_259 = arith.constant 0 : i32
      %dma_start3A_260 = tpu.memref_slice %arg8[%dma_start3A_258, %dma_start3A_259] : memref<10240x32xf32, #tpu.memory_space<vmem_shared>> -> memref<10240x32xf32, #tpu.memory_space<vmem_shared>>
      tpu.enqueue_indirect_dma source(%dma_start3A_254 : memref<125x32xf32, #tpu.memory_space<vmem>>) target(%dma_start3A_260 : memref<10240x32xf32, #tpu.memory_space<vmem_shared>>) offsets(%dma_start3A_257 : memref<125xi32, #tpu.memory_space<vmem>>) semaphore(%arg9 : memref<!tpu.dma_semaphore, #tpu.memory_space<semaphore_mem>>) {add = true}
      %mul3A_261 = arith.constant 20 : i32
      %mul3A_262 = arith.muli %scan3A_11, %mul3A_261 : i32
      %add3A_263 = arith.constant 19 : i32
      %add3A_264 = arith.addi %mul3A_262, %add3A_263 : i32
      %dma_start3A_265 = arith.constant 2375 : i32
      %dma_start3A_266 = arith.constant 0 : i32
      %dma_start3A_267 = tpu.memref_slice %arg7[%dma_start3A_265, %dma_start3A_266] : memref<2500x32xf32, #tpu.memory_space<vmem>> -> memref<125x32xf32, #tpu.memory_space<vmem>>
      %dma_start3A_268 = arith.constant 0 : i32
      %dma_start3A_269 = tpu.memref_slice %arg6[%add3A_264, %dma_start3A_268] : memref<40x125xi32, #tpu.memory_space<vmem>> -> memref<1x125xi32, #tpu.memory_space<vmem>>
      %dma_start3A_270 = tpu.memref_squeeze %dma_start3A_269 : memref<1x125xi32, #tpu.memory_space<vmem>> -> memref<125xi32, #tpu.memory_space<vmem>>
      %dma_start3A_271 = arith.constant 0 : i32
      %dma_start3A_272 = arith.constant 0 : i32
      %dma_start3A_273 = tpu.memref_slice %arg8[%dma_start3A_271, %dma_start3A_272] : memref<10240x32xf32, #tpu.memory_space<vmem_shared>> -> memref<10240x32xf32, #tpu.memory_space<vmem_shared>>
      tpu.enqueue_indirect_dma source(%dma_start3A_267 : memref<125x32xf32, #tpu.memory_space<vmem>>) target(%dma_start3A_273 : memref<10240x32xf32, #tpu.memory_space<vmem_shared>>) offsets(%dma_start3A_270 : memref<125xi32, #tpu.memory_space<vmem>>) semaphore(%arg9 : memref<!tpu.dma_semaphore, #tpu.memory_space<semaphore_mem>>) {add = true}
      %dma_wait3A = arith.constant 0 : i32
      %dma_wait3A_274 = arith.constant 0 : i32
      %dma_wait3A_275 = tpu.memref_slice %arg7[%dma_wait3A, %dma_wait3A_274] : memref<2500x32xf32, #tpu.memory_space<vmem>> -> memref<125x32xf32, #tpu.memory_space<vmem>>
      %dma_wait3A_276 = arith.constant 0 : i32
      %dma_wait3A_277 = tpu.memref_slice %arg6[%add3A_18, %dma_wait3A_276] : memref<40x125xi32, #tpu.memory_space<vmem>> -> memref<1x125xi32, #tpu.memory_space<vmem>>
      %dma_wait3A_278 = tpu.memref_squeeze %dma_wait3A_277 : memref<1x125xi32, #tpu.memory_space<vmem>> -> memref<125xi32, #tpu.memory_space<vmem>>
      %dma_wait3A_279 = arith.constant 0 : i32
      %dma_wait3A_280 = arith.constant 0 : i32
      %dma_wait3A_281 = tpu.memref_slice %arg8[%dma_wait3A_279, %dma_wait3A_280] : memref<10240x32xf32, #tpu.memory_space<vmem_shared>> -> memref<10240x32xf32, #tpu.memory_space<vmem_shared>>
      tpu.wait_indirect_dma semaphore(%arg9 : memref<!tpu.dma_semaphore, #tpu.memory_space<semaphore_mem>>) src(%dma_wait3A_275 : memref<125x32xf32, #tpu.memory_space<vmem>>) dst(%dma_wait3A_281 : memref<10240x32xf32, #tpu.memory_space<vmem_shared>>)
      %dma_wait3A_282 = arith.constant 125 : i32
      %dma_wait3A_283 = arith.constant 0 : i32
      %dma_wait3A_284 = tpu.memref_slice %arg7[%dma_wait3A_282, %dma_wait3A_283] : memref<2500x32xf32, #tpu.memory_space<vmem>> -> memref<125x32xf32, #tpu.memory_space<vmem>>
      %dma_wait3A_285 = arith.constant 0 : i32
      %dma_wait3A_286 = tpu.memref_slice %arg6[%add3A_30, %dma_wait3A_285] : memref<40x125xi32, #tpu.memory_space<vmem>> -> memref<1x125xi32, #tpu.memory_space<vmem>>
      %dma_wait3A_287 = tpu.memref_squeeze %dma_wait3A_286 : memref<1x125xi32, #tpu.memory_space<vmem>> -> memref<125xi32, #tpu.memory_space<vmem>>
      %dma_wait3A_288 = arith.constant 0 : i32
      %dma_wait3A_289 = arith.constant 0 : i32
      %dma_wait3A_290 = tpu.memref_slice %arg8[%dma_wait3A_288, %dma_wait3A_289] : memref<10240x32xf32, #tpu.memory_space<vmem_shared>> -> memref<10240x32xf32, #tpu.memory_space<vmem_shared>>
      tpu.wait_indirect_dma semaphore(%arg9 : memref<!tpu.dma_semaphore, #tpu.memory_space<semaphore_mem>>) src(%dma_wait3A_284 : memref<125x32xf32, #tpu.memory_space<vmem>>) dst(%dma_wait3A_290 : memref<10240x32xf32, #tpu.memory_space<vmem_shared>>)
      %dma_wait3A_291 = arith.constant 250 : i32
      %dma_wait3A_292 = arith.constant 0 : i32
      %dma_wait3A_293 = tpu.memref_slice %arg7[%dma_wait3A_291, %dma_wait3A_292] : memref<2500x32xf32, #tpu.memory_space<vmem>> -> memref<125x32xf32, #tpu.memory_space<vmem>>
      %dma_wait3A_294 = arith.constant 0 : i32
      %dma_wait3A_295 = tpu.memref_slice %arg6[%add3A_43, %dma_wait3A_294] : memref<40x125xi32, #tpu.memory_space<vmem>> -> memref<1x125xi32, #tpu.memory_space<vmem>>
      %dma_wait3A_296 = tpu.memref_squeeze %dma_wait3A_295 : memref<1x125xi32, #tpu.memory_space<vmem>> -> memref<125xi32, #tpu.memory_space<vmem>>
      %dma_wait3A_297 = arith.constant 0 : i32
      %dma_wait3A_298 = arith.constant 0 : i32
      %dma_wait3A_299 = tpu.memref_slice %arg8[%dma_wait3A_297, %dma_wait3A_298] : memref<10240x32xf32, #tpu.memory_space<vmem_shared>> -> memref<10240x32xf32, #tpu.memory_space<vmem_shared>>
      tpu.wait_indirect_dma semaphore(%arg9 : memref<!tpu.dma_semaphore, #tpu.memory_space<semaphore_mem>>) src(%dma_wait3A_293 : memref<125x32xf32, #tpu.memory_space<vmem>>) dst(%dma_wait3A_299 : memref<10240x32xf32, #tpu.memory_space<vmem_shared>>)
      %dma_wait3A_300 = arith.constant 375 : i32
      %dma_wait3A_301 = arith.constant 0 : i32
      %dma_wait3A_302 = tpu.memref_slice %arg7[%dma_wait3A_300, %dma_wait3A_301] : memref<2500x32xf32, #tpu.memory_space<vmem>> -> memref<125x32xf32, #tpu.memory_space<vmem>>
      %dma_wait3A_303 = arith.constant 0 : i32
      %dma_wait3A_304 = tpu.memref_slice %arg6[%add3A_56, %dma_wait3A_303] : memref<40x125xi32, #tpu.memory_space<vmem>> -> memref<1x125xi32, #tpu.memory_space<vmem>>
      %dma_wait3A_305 = tpu.memref_squeeze %dma_wait3A_304 : memref<1x125xi32, #tpu.memory_space<vmem>> -> memref<125xi32, #tpu.memory_space<vmem>>
      %dma_wait3A_306 = arith.constant 0 : i32
      %dma_wait3A_307 = arith.constant 0 : i32
      %dma_wait3A_308 = tpu.memref_slice %arg8[%dma_wait3A_306, %dma_wait3A_307] : memref<10240x32xf32, #tpu.memory_space<vmem_shared>> -> memref<10240x32xf32, #tpu.memory_space<vmem_shared>>
      tpu.wait_indirect_dma semaphore(%arg9 : memref<!tpu.dma_semaphore, #tpu.memory_space<semaphore_mem>>) src(%dma_wait3A_302 : memref<125x32xf32, #tpu.memory_space<vmem>>) dst(%dma_wait3A_308 : memref<10240x32xf32, #tpu.memory_space<vmem_shared>>)
      %dma_wait3A_309 = arith.constant 500 : i32
      %dma_wait3A_310 = arith.constant 0 : i32
      %dma_wait3A_311 = tpu.memref_slice %arg7[%dma_wait3A_309, %dma_wait3A_310] : memref<2500x32xf32, #tpu.memory_space<vmem>> -> memref<125x32xf32, #tpu.memory_space<vmem>>
      %dma_wait3A_312 = arith.constant 0 : i32
      %dma_wait3A_313 = tpu.memref_slice %arg6[%add3A_69, %dma_wait3A_312] : memref<40x125xi32, #tpu.memory_space<vmem>> -> memref<1x125xi32, #tpu.memory_space<vmem>>
      %dma_wait3A_314 = tpu.memref_squeeze %dma_wait3A_313 : memref<1x125xi32, #tpu.memory_space<vmem>> -> memref<125xi32, #tpu.memory_space<vmem>>
      %dma_wait3A_315 = arith.constant 0 : i32
      %dma_wait3A_316 = arith.constant 0 : i32
      %dma_wait3A_317 = tpu.memref_slice %arg8[%dma_wait3A_315, %dma_wait3A_316] : memref<10240x32xf32, #tpu.memory_space<vmem_shared>> -> memref<10240x32xf32, #tpu.memory_space<vmem_shared>>
      tpu.wait_indirect_dma semaphore(%arg9 : memref<!tpu.dma_semaphore, #tpu.memory_space<semaphore_mem>>) src(%dma_wait3A_311 : memref<125x32xf32, #tpu.memory_space<vmem>>) dst(%dma_wait3A_317 : memref<10240x32xf32, #tpu.memory_space<vmem_shared>>)
      %dma_wait3A_318 = arith.constant 625 : i32
      %dma_wait3A_319 = arith.constant 0 : i32
      %dma_wait3A_320 = tpu.memref_slice %arg7[%dma_wait3A_318, %dma_wait3A_319] : memref<2500x32xf32, #tpu.memory_space<vmem>> -> memref<125x32xf32, #tpu.memory_space<vmem>>
      %dma_wait3A_321 = arith.constant 0 : i32
      %dma_wait3A_322 = tpu.memref_slice %arg6[%add3A_82, %dma_wait3A_321] : memref<40x125xi32, #tpu.memory_space<vmem>> -> memref<1x125xi32, #tpu.memory_space<vmem>>
      %dma_wait3A_323 = tpu.memref_squeeze %dma_wait3A_322 : memref<1x125xi32, #tpu.memory_space<vmem>> -> memref<125xi32, #tpu.memory_space<vmem>>
      %dma_wait3A_324 = arith.constant 0 : i32
      %dma_wait3A_325 = arith.constant 0 : i32
      %dma_wait3A_326 = tpu.memref_slice %arg8[%dma_wait3A_324, %dma_wait3A_325] : memref<10240x32xf32, #tpu.memory_space<vmem_shared>> -> memref<10240x32xf32, #tpu.memory_space<vmem_shared>>
      tpu.wait_indirect_dma semaphore(%arg9 : memref<!tpu.dma_semaphore, #tpu.memory_space<semaphore_mem>>) src(%dma_wait3A_320 : memref<125x32xf32, #tpu.memory_space<vmem>>) dst(%dma_wait3A_326 : memref<10240x32xf32, #tpu.memory_space<vmem_shared>>)
      %dma_wait3A_327 = arith.constant 750 : i32
      %dma_wait3A_328 = arith.constant 0 : i32
      %dma_wait3A_329 = tpu.memref_slice %arg7[%dma_wait3A_327, %dma_wait3A_328] : memref<2500x32xf32, #tpu.memory_space<vmem>> -> memref<125x32xf32, #tpu.memory_space<vmem>>
      %dma_wait3A_330 = arith.constant 0 : i32
      %dma_wait3A_331 = tpu.memref_slice %arg6[%add3A_95, %dma_wait3A_330] : memref<40x125xi32, #tpu.memory_space<vmem>> -> memref<1x125xi32, #tpu.memory_space<vmem>>
      %dma_wait3A_332 = tpu.memref_squeeze %dma_wait3A_331 : memref<1x125xi32, #tpu.memory_space<vmem>> -> memref<125xi32, #tpu.memory_space<vmem>>
      %dma_wait3A_333 = arith.constant 0 : i32
      %dma_wait3A_334 = arith.constant 0 : i32
      %dma_wait3A_335 = tpu.memref_slice %arg8[%dma_wait3A_333, %dma_wait3A_334] : memref<10240x32xf32, #tpu.memory_space<vmem_shared>> -> memref<10240x32xf32, #tpu.memory_space<vmem_shared>>
      tpu.wait_indirect_dma semaphore(%arg9 : memref<!tpu.dma_semaphore, #tpu.memory_space<semaphore_mem>>) src(%dma_wait3A_329 : memref<125x32xf32, #tpu.memory_space<vmem>>) dst(%dma_wait3A_335 : memref<10240x32xf32, #tpu.memory_space<vmem_shared>>)
      %dma_wait3A_336 = arith.constant 875 : i32
      %dma_wait3A_337 = arith.constant 0 : i32
      %dma_wait3A_338 = tpu.memref_slice %arg7[%dma_wait3A_336, %dma_wait3A_337] : memref<2500x32xf32, #tpu.memory_space<vmem>> -> memref<125x32xf32, #tpu.memory_space<vmem>>
      %dma_wait3A_339 = arith.constant 0 : i32
      %dma_wait3A_340 = tpu.memref_slice %arg6[%add3A_108, %dma_wait3A_339] : memref<40x125xi32, #tpu.memory_space<vmem>> -> memref<1x125xi32, #tpu.memory_space<vmem>>
      %dma_wait3A_341 = tpu.memref_squeeze %dma_wait3A_340 : memref<1x125xi32, #tpu.memory_space<vmem>> -> memref<125xi32, #tpu.memory_space<vmem>>
      %dma_wait3A_342 = arith.constant 0 : i32
      %dma_wait3A_343 = arith.constant 0 : i32
      %dma_wait3A_344 = tpu.memref_slice %arg8[%dma_wait3A_342, %dma_wait3A_343] : memref<10240x32xf32, #tpu.memory_space<vmem_shared>> -> memref<10240x32xf32, #tpu.memory_space<vmem_shared>>
      tpu.wait_indirect_dma semaphore(%arg9 : memref<!tpu.dma_semaphore, #tpu.memory_space<semaphore_mem>>) src(%dma_wait3A_338 : memref<125x32xf32, #tpu.memory_space<vmem>>) dst(%dma_wait3A_344 : memref<10240x32xf32, #tpu.memory_space<vmem_shared>>)
      %dma_wait3A_345 = arith.constant 1000 : i32
      %dma_wait3A_346 = arith.constant 0 : i32
      %dma_wait3A_347 = tpu.memref_slice %arg7[%dma_wait3A_345, %dma_wait3A_346] : memref<2500x32xf32, #tpu.memory_space<vmem>> -> memref<125x32xf32, #tpu.memory_space<vmem>>
      %dma_wait3A_348 = arith.constant 0 : i32
      %dma_wait3A_349 = tpu.memref_slice %arg6[%add3A_121, %dma_wait3A_348] : memref<40x125xi32, #tpu.memory_space<vmem>> -> memref<1x125xi32, #tpu.memory_space<vmem>>
      %dma_wait3A_350 = tpu.memref_squeeze %dma_wait3A_349 : memref<1x125xi32, #tpu.memory_space<vmem>> -> memref<125xi32, #tpu.memory_space<vmem>>
      %dma_wait3A_351 = arith.constant 0 : i32
      %dma_wait3A_352 = arith.constant 0 : i32
      %dma_wait3A_353 = tpu.memref_slice %arg8[%dma_wait3A_351, %dma_wait3A_352] : memref<10240x32xf32, #tpu.memory_space<vmem_shared>> -> memref<10240x32xf32, #tpu.memory_space<vmem_shared>>
      tpu.wait_indirect_dma semaphore(%arg9 : memref<!tpu.dma_semaphore, #tpu.memory_space<semaphore_mem>>) src(%dma_wait3A_347 : memref<125x32xf32, #tpu.memory_space<vmem>>) dst(%dma_wait3A_353 : memref<10240x32xf32, #tpu.memory_space<vmem_shared>>)
      %dma_wait3A_354 = arith.constant 1125 : i32
      %dma_wait3A_355 = arith.constant 0 : i32
      %dma_wait3A_356 = tpu.memref_slice %arg7[%dma_wait3A_354, %dma_wait3A_355] : memref<2500x32xf32, #tpu.memory_space<vmem>> -> memref<125x32xf32, #tpu.memory_space<vmem>>
      %dma_wait3A_357 = arith.constant 0 : i32
      %dma_wait3A_358 = tpu.memref_slice %arg6[%add3A_134, %dma_wait3A_357] : memref<40x125xi32, #tpu.memory_space<vmem>> -> memref<1x125xi32, #tpu.memory_space<vmem>>
      %dma_wait3A_359 = tpu.memref_squeeze %dma_wait3A_358 : memref<1x125xi32, #tpu.memory_space<vmem>> -> memref<125xi32, #tpu.memory_space<vmem>>
      %dma_wait3A_360 = arith.constant 0 : i32
      %dma_wait3A_361 = arith.constant 0 : i32
      %dma_wait3A_362 = tpu.memref_slice %arg8[%dma_wait3A_360, %dma_wait3A_361] : memref<10240x32xf32, #tpu.memory_space<vmem_shared>> -> memref<10240x32xf32, #tpu.memory_space<vmem_shared>>
      tpu.wait_indirect_dma semaphore(%arg9 : memref<!tpu.dma_semaphore, #tpu.memory_space<semaphore_mem>>) src(%dma_wait3A_356 : memref<125x32xf32, #tpu.memory_space<vmem>>) dst(%dma_wait3A_362 : memref<10240x32xf32, #tpu.memory_space<vmem_shared>>)
      %dma_wait3A_363 = arith.constant 1250 : i32
      %dma_wait3A_364 = arith.constant 0 : i32
      %dma_wait3A_365 = tpu.memref_slice %arg7[%dma_wait3A_363, %dma_wait3A_364] : memref<2500x32xf32, #tpu.memory_space<vmem>> -> memref<125x32xf32, #tpu.memory_space<vmem>>
      %dma_wait3A_366 = arith.constant 0 : i32
      %dma_wait3A_367 = tpu.memref_slice %arg6[%add3A_147, %dma_wait3A_366] : memref<40x125xi32, #tpu.memory_space<vmem>> -> memref<1x125xi32, #tpu.memory_space<vmem>>
      %dma_wait3A_368 = tpu.memref_squeeze %dma_wait3A_367 : memref<1x125xi32, #tpu.memory_space<vmem>> -> memref<125xi32, #tpu.memory_space<vmem>>
      %dma_wait3A_369 = arith.constant 0 : i32
      %dma_wait3A_370 = arith.constant 0 : i32
      %dma_wait3A_371 = tpu.memref_slice %arg8[%dma_wait3A_369, %dma_wait3A_370] : memref<10240x32xf32, #tpu.memory_space<vmem_shared>> -> memref<10240x32xf32, #tpu.memory_space<vmem_shared>>
      tpu.wait_indirect_dma semaphore(%arg9 : memref<!tpu.dma_semaphore, #tpu.memory_space<semaphore_mem>>) src(%dma_wait3A_365 : memref<125x32xf32, #tpu.memory_space<vmem>>) dst(%dma_wait3A_371 : memref<10240x32xf32, #tpu.memory_space<vmem_shared>>)
      %dma_wait3A_372 = arith.constant 1375 : i32
      %dma_wait3A_373 = arith.constant 0 : i32
      %dma_wait3A_374 = tpu.memref_slice %arg7[%dma_wait3A_372, %dma_wait3A_373] : memref<2500x32xf32, #tpu.memory_space<vmem>> -> memref<125x32xf32, #tpu.memory_space<vmem>>
      %dma_wait3A_375 = arith.constant 0 : i32
      %dma_wait3A_376 = tpu.memref_slice %arg6[%add3A_160, %dma_wait3A_375] : memref<40x125xi32, #tpu.memory_space<vmem>> -> memref<1x125xi32, #tpu.memory_space<vmem>>
      %dma_wait3A_377 = tpu.memref_squeeze %dma_wait3A_376 : memref<1x125xi32, #tpu.memory_space<vmem>> -> memref<125xi32, #tpu.memory_space<vmem>>
      %dma_wait3A_378 = arith.constant 0 : i32
      %dma_wait3A_379 = arith.constant 0 : i32
      %dma_wait3A_380 = tpu.memref_slice %arg8[%dma_wait3A_378, %dma_wait3A_379] : memref<10240x32xf32, #tpu.memory_space<vmem_shared>> -> memref<10240x32xf32, #tpu.memory_space<vmem_shared>>
      tpu.wait_indirect_dma semaphore(%arg9 : memref<!tpu.dma_semaphore, #tpu.memory_space<semaphore_mem>>) src(%dma_wait3A_374 : memref<125x32xf32, #tpu.memory_space<vmem>>) dst(%dma_wait3A_380 : memref<10240x32xf32, #tpu.memory_space<vmem_shared>>)
      %dma_wait3A_381 = arith.constant 1500 : i32
      %dma_wait3A_382 = arith.constant 0 : i32
      %dma_wait3A_383 = tpu.memref_slice %arg7[%dma_wait3A_381, %dma_wait3A_382] : memref<2500x32xf32, #tpu.memory_space<vmem>> -> memref<125x32xf32, #tpu.memory_space<vmem>>
      %dma_wait3A_384 = arith.constant 0 : i32
      %dma_wait3A_385 = tpu.memref_slice %arg6[%add3A_173, %dma_wait3A_384] : memref<40x125xi32, #tpu.memory_space<vmem>> -> memref<1x125xi32, #tpu.memory_space<vmem>>
      %dma_wait3A_386 = tpu.memref_squeeze %dma_wait3A_385 : memref<1x125xi32, #tpu.memory_space<vmem>> -> memref<125xi32, #tpu.memory_space<vmem>>
      %dma_wait3A_387 = arith.constant 0 : i32
      %dma_wait3A_388 = arith.constant 0 : i32
      %dma_wait3A_389 = tpu.memref_slice %arg8[%dma_wait3A_387, %dma_wait3A_388] : memref<10240x32xf32, #tpu.memory_space<vmem_shared>> -> memref<10240x32xf32, #tpu.memory_space<vmem_shared>>
      tpu.wait_indirect_dma semaphore(%arg9 : memref<!tpu.dma_semaphore, #tpu.memory_space<semaphore_mem>>) src(%dma_wait3A_383 : memref<125x32xf32, #tpu.memory_space<vmem>>) dst(%dma_wait3A_389 : memref<10240x32xf32, #tpu.memory_space<vmem_shared>>)
      %dma_wait3A_390 = arith.constant 1625 : i32
      %dma_wait3A_391 = arith.constant 0 : i32
      %dma_wait3A_392 = tpu.memref_slice %arg7[%dma_wait3A_390, %dma_wait3A_391] : memref<2500x32xf32, #tpu.memory_space<vmem>> -> memref<125x32xf32, #tpu.memory_space<vmem>>
      %dma_wait3A_393 = arith.constant 0 : i32
      %dma_wait3A_394 = tpu.memref_slice %arg6[%add3A_186, %dma_wait3A_393] : memref<40x125xi32, #tpu.memory_space<vmem>> -> memref<1x125xi32, #tpu.memory_space<vmem>>
      %dma_wait3A_395 = tpu.memref_squeeze %dma_wait3A_394 : memref<1x125xi32, #tpu.memory_space<vmem>> -> memref<125xi32, #tpu.memory_space<vmem>>
      %dma_wait3A_396 = arith.constant 0 : i32
      %dma_wait3A_397 = arith.constant 0 : i32
      %dma_wait3A_398 = tpu.memref_slice %arg8[%dma_wait3A_396, %dma_wait3A_397] : memref<10240x32xf32, #tpu.memory_space<vmem_shared>> -> memref<10240x32xf32, #tpu.memory_space<vmem_shared>>
      tpu.wait_indirect_dma semaphore(%arg9 : memref<!tpu.dma_semaphore, #tpu.memory_space<semaphore_mem>>) src(%dma_wait3A_392 : memref<125x32xf32, #tpu.memory_space<vmem>>) dst(%dma_wait3A_398 : memref<10240x32xf32, #tpu.memory_space<vmem_shared>>)
      %dma_wait3A_399 = arith.constant 1750 : i32
      %dma_wait3A_400 = arith.constant 0 : i32
      %dma_wait3A_401 = tpu.memref_slice %arg7[%dma_wait3A_399, %dma_wait3A_400] : memref<2500x32xf32, #tpu.memory_space<vmem>> -> memref<125x32xf32, #tpu.memory_space<vmem>>
      %dma_wait3A_402 = arith.constant 0 : i32
      %dma_wait3A_403 = tpu.memref_slice %arg6[%add3A_199, %dma_wait3A_402] : memref<40x125xi32, #tpu.memory_space<vmem>> -> memref<1x125xi32, #tpu.memory_space<vmem>>
      %dma_wait3A_404 = tpu.memref_squeeze %dma_wait3A_403 : memref<1x125xi32, #tpu.memory_space<vmem>> -> memref<125xi32, #tpu.memory_space<vmem>>
      %dma_wait3A_405 = arith.constant 0 : i32
      %dma_wait3A_406 = arith.constant 0 : i32
      %dma_wait3A_407 = tpu.memref_slice %arg8[%dma_wait3A_405, %dma_wait3A_406] : memref<10240x32xf32, #tpu.memory_space<vmem_shared>> -> memref<10240x32xf32, #tpu.memory_space<vmem_shared>>
      tpu.wait_indirect_dma semaphore(%arg9 : memref<!tpu.dma_semaphore, #tpu.memory_space<semaphore_mem>>) src(%dma_wait3A_401 : memref<125x32xf32, #tpu.memory_space<vmem>>) dst(%dma_wait3A_407 : memref<10240x32xf32, #tpu.memory_space<vmem_shared>>)
      %dma_wait3A_408 = arith.constant 1875 : i32
      %dma_wait3A_409 = arith.constant 0 : i32
      %dma_wait3A_410 = tpu.memref_slice %arg7[%dma_wait3A_408, %dma_wait3A_409] : memref<2500x32xf32, #tpu.memory_space<vmem>> -> memref<125x32xf32, #tpu.memory_space<vmem>>
      %dma_wait3A_411 = arith.constant 0 : i32
      %dma_wait3A_412 = tpu.memref_slice %arg6[%add3A_212, %dma_wait3A_411] : memref<40x125xi32, #tpu.memory_space<vmem>> -> memref<1x125xi32, #tpu.memory_space<vmem>>
      %dma_wait3A_413 = tpu.memref_squeeze %dma_wait3A_412 : memref<1x125xi32, #tpu.memory_space<vmem>> -> memref<125xi32, #tpu.memory_space<vmem>>
      %dma_wait3A_414 = arith.constant 0 : i32
      %dma_wait3A_415 = arith.constant 0 : i32
      %dma_wait3A_416 = tpu.memref_slice %arg8[%dma_wait3A_414, %dma_wait3A_415] : memref<10240x32xf32, #tpu.memory_space<vmem_shared>> -> memref<10240x32xf32, #tpu.memory_space<vmem_shared>>
      tpu.wait_indirect_dma semaphore(%arg9 : memref<!tpu.dma_semaphore, #tpu.memory_space<semaphore_mem>>) src(%dma_wait3A_410 : memref<125x32xf32, #tpu.memory_space<vmem>>) dst(%dma_wait3A_416 : memref<10240x32xf32, #tpu.memory_space<vmem_shared>>)
      %dma_wait3A_417 = arith.constant 2000 : i32
      %dma_wait3A_418 = arith.constant 0 : i32
      %dma_wait3A_419 = tpu.memref_slice %arg7[%dma_wait3A_417, %dma_wait3A_418] : memref<2500x32xf32, #tpu.memory_space<vmem>> -> memref<125x32xf32, #tpu.memory_space<vmem>>
      %dma_wait3A_420 = arith.constant 0 : i32
      %dma_wait3A_421 = tpu.memref_slice %arg6[%add3A_225, %dma_wait3A_420] : memref<40x125xi32, #tpu.memory_space<vmem>> -> memref<1x125xi32, #tpu.memory_space<vmem>>
      %dma_wait3A_422 = tpu.memref_squeeze %dma_wait3A_421 : memref<1x125xi32, #tpu.memory_space<vmem>> -> memref<125xi32, #tpu.memory_space<vmem>>
      %dma_wait3A_423 = arith.constant 0 : i32
      %dma_wait3A_424 = arith.constant 0 : i32
      %dma_wait3A_425 = tpu.memref_slice %arg8[%dma_wait3A_423, %dma_wait3A_424] : memref<10240x32xf32, #tpu.memory_space<vmem_shared>> -> memref<10240x32xf32, #tpu.memory_space<vmem_shared>>
      tpu.wait_indirect_dma semaphore(%arg9 : memref<!tpu.dma_semaphore, #tpu.memory_space<semaphore_mem>>) src(%dma_wait3A_419 : memref<125x32xf32, #tpu.memory_space<vmem>>) dst(%dma_wait3A_425 : memref<10240x32xf32, #tpu.memory_space<vmem_shared>>)
      %dma_wait3A_426 = arith.constant 2125 : i32
      %dma_wait3A_427 = arith.constant 0 : i32
      %dma_wait3A_428 = tpu.memref_slice %arg7[%dma_wait3A_426, %dma_wait3A_427] : memref<2500x32xf32, #tpu.memory_space<vmem>> -> memref<125x32xf32, #tpu.memory_space<vmem>>
      %dma_wait3A_429 = arith.constant 0 : i32
      %dma_wait3A_430 = tpu.memref_slice %arg6[%add3A_238, %dma_wait3A_429] : memref<40x125xi32, #tpu.memory_space<vmem>> -> memref<1x125xi32, #tpu.memory_space<vmem>>
      %dma_wait3A_431 = tpu.memref_squeeze %dma_wait3A_430 : memref<1x125xi32, #tpu.memory_space<vmem>> -> memref<125xi32, #tpu.memory_space<vmem>>
      %dma_wait3A_432 = arith.constant 0 : i32
      %dma_wait3A_433 = arith.constant 0 : i32
      %dma_wait3A_434 = tpu.memref_slice %arg8[%dma_wait3A_432, %dma_wait3A_433] : memref<10240x32xf32, #tpu.memory_space<vmem_shared>> -> memref<10240x32xf32, #tpu.memory_space<vmem_shared>>
      tpu.wait_indirect_dma semaphore(%arg9 : memref<!tpu.dma_semaphore, #tpu.memory_space<semaphore_mem>>) src(%dma_wait3A_428 : memref<125x32xf32, #tpu.memory_space<vmem>>) dst(%dma_wait3A_434 : memref<10240x32xf32, #tpu.memory_space<vmem_shared>>)
      %dma_wait3A_435 = arith.constant 2250 : i32
      %dma_wait3A_436 = arith.constant 0 : i32
      %dma_wait3A_437 = tpu.memref_slice %arg7[%dma_wait3A_435, %dma_wait3A_436] : memref<2500x32xf32, #tpu.memory_space<vmem>> -> memref<125x32xf32, #tpu.memory_space<vmem>>
      %dma_wait3A_438 = arith.constant 0 : i32
      %dma_wait3A_439 = tpu.memref_slice %arg6[%add3A_251, %dma_wait3A_438] : memref<40x125xi32, #tpu.memory_space<vmem>> -> memref<1x125xi32, #tpu.memory_space<vmem>>
      %dma_wait3A_440 = tpu.memref_squeeze %dma_wait3A_439 : memref<1x125xi32, #tpu.memory_space<vmem>> -> memref<125xi32, #tpu.memory_space<vmem>>
      %dma_wait3A_441 = arith.constant 0 : i32
      %dma_wait3A_442 = arith.constant 0 : i32
      %dma_wait3A_443 = tpu.memref_slice %arg8[%dma_wait3A_441, %dma_wait3A_442] : memref<10240x32xf32, #tpu.memory_space<vmem_shared>> -> memref<10240x32xf32, #tpu.memory_space<vmem_shared>>
      tpu.wait_indirect_dma semaphore(%arg9 : memref<!tpu.dma_semaphore, #tpu.memory_space<semaphore_mem>>) src(%dma_wait3A_437 : memref<125x32xf32, #tpu.memory_space<vmem>>) dst(%dma_wait3A_443 : memref<10240x32xf32, #tpu.memory_space<vmem_shared>>)
      %dma_wait3A_444 = arith.constant 2375 : i32
      %dma_wait3A_445 = arith.constant 0 : i32
      %dma_wait3A_446 = tpu.memref_slice %arg7[%dma_wait3A_444, %dma_wait3A_445] : memref<2500x32xf32, #tpu.memory_space<vmem>> -> memref<125x32xf32, #tpu.memory_space<vmem>>
      %dma_wait3A_447 = arith.constant 0 : i32
      %dma_wait3A_448 = tpu.memref_slice %arg6[%add3A_264, %dma_wait3A_447] : memref<40x125xi32, #tpu.memory_space<vmem>> -> memref<1x125xi32, #tpu.memory_space<vmem>>
      %dma_wait3A_449 = tpu.memref_squeeze %dma_wait3A_448 : memref<1x125xi32, #tpu.memory_space<vmem>> -> memref<125xi32, #tpu.memory_space<vmem>>
      %dma_wait3A_450 = arith.constant 0 : i32
      %dma_wait3A_451 = arith.constant 0 : i32
      %dma_wait3A_452 = tpu.memref_slice %arg8[%dma_wait3A_450, %dma_wait3A_451] : memref<10240x32xf32, #tpu.memory_space<vmem_shared>> -> memref<10240x32xf32, #tpu.memory_space<vmem_shared>>
      tpu.wait_indirect_dma semaphore(%arg9 : memref<!tpu.dma_semaphore, #tpu.memory_space<semaphore_mem>>) src(%dma_wait3A_446 : memref<125x32xf32, #tpu.memory_space<vmem>>) dst(%dma_wait3A_452 : memref<10240x32xf32, #tpu.memory_space<vmem_shared>>)
    }
    %scan3A_9 = arith.constant 2 : i32
    %barrier3A_10 = arith.constant 0 : index
    tpu.barrier barrier_id(%barrier3A_10)
    "tpu.region"() ({
      %run_scoped3A = tpu.sem_alloc : memref<!tpu.dma_semaphore, #tpu.memory_space<semaphore_mem>>
      %dma_start3A = arith.constant 0 : i32
      %dma_start3A_11 = tpu.memref_slice %arg5[%arg0, %mul3A_4, %dma_start3A] : memref<2x10240x32xf32, #tpu.memory_space<hbm>> -> memref<1x640x32xf32, #tpu.memory_space<hbm>>
      %dma_start3A_12 = tpu.memref_squeeze %dma_start3A_11 : memref<1x640x32xf32, #tpu.memory_space<hbm>> -> memref<640x32xf32, #tpu.memory_space<hbm>>
      %dma_start3A_13 = arith.constant 0 : i32
      %dma_start3A_14 = tpu.memref_slice %arg8[%mul3A_4, %dma_start3A_13] : memref<10240x32xf32, #tpu.memory_space<vmem_shared>> -> memref<640x32xf32, #tpu.memory_space<vmem_shared>>
      tpu.enqueue_dma source(%dma_start3A_14 : memref<640x32xf32, #tpu.memory_space<vmem_shared>>) target(%dma_start3A_12 : memref<640x32xf32, #tpu.memory_space<hbm>>) target_semaphore(%run_scoped3A : memref<!tpu.dma_semaphore, #tpu.memory_space<semaphore_mem>>)
      %dma_wait3A = arith.constant 0 : i32
      %dma_wait3A_15 = tpu.memref_slice %arg5[%arg0, %mul3A_4, %dma_wait3A] : memref<2x10240x32xf32, #tpu.memory_space<hbm>> -> memref<1x640x32xf32, #tpu.memory_space<hbm>>
      %dma_wait3A_16 = tpu.memref_squeeze %dma_wait3A_15 : memref<1x640x32xf32, #tpu.memory_space<hbm>> -> memref<640x32xf32, #tpu.memory_space<hbm>>
      %dma_wait3A_17 = arith.constant 0 : i32
      %dma_wait3A_18 = tpu.memref_slice %arg8[%mul3A_4, %dma_wait3A_17] : memref<10240x32xf32, #tpu.memory_space<vmem_shared>> -> memref<640x32xf32, #tpu.memory_space<vmem_shared>>
      tpu.wait_dma2 semaphore(%run_scoped3A : memref<!tpu.dma_semaphore, #tpu.memory_space<semaphore_mem>>) src(%dma_wait3A_18 : memref<640x32xf32, #tpu.memory_space<vmem_shared>>) dst(%dma_wait3A_16 : memref<640x32xf32, #tpu.memory_space<hbm>>)
      tpu.yield
    }) : () -> ()
    return
  }
}

module attributes {stable_mosaic.version = 14 : i64} {
  func.func @_tc_edge_body(%arg0: i32, %arg1: memref<400x64xf32, #tpu.memory_space<vmem>>, %arg2: memref<400x128xf32, #tpu.memory_space<vmem>>, %arg3: memref<64x4096xbf16, #tpu.memory_space<vmem>>, %arg4: memref<128x4096xbf16, #tpu.memory_space<vmem>>, %arg5: memref<128x128xbf16, #tpu.memory_space<vmem>>, %arg6: memref<400x128xf32, #tpu.memory_space<vmem>>) attributes {dimension_semantics = [#tpu.dimension_semantics<arbitrary>], iteration_bounds = array<i64: 100>, scalar_prefetch = 0 : i64, scratch_operands = 0 : i64, tpu.core_type = #tpu.core_type<tc>, window_params = [{transform_indices = @transform_0, window_bounds = array<i64: 400, 64>}, {transform_indices = @transform_1, window_bounds = array<i64: 400, 128>}, {pipeline_mode = #tpu.pipeline_mode<synchronous>, transform_indices = @transform_2, window_bounds = array<i64: 64, 4096>}, {pipeline_mode = #tpu.pipeline_mode<synchronous>, transform_indices = @transform_3, window_bounds = array<i64: 128, 4096>}, {pipeline_mode = #tpu.pipeline_mode<synchronous>, transform_indices = @transform_4, window_bounds = array<i64: 128, 128>}, {transform_indices = @transform_5, window_bounds = array<i64: 400, 128>}]} {
    %get3A = arith.constant 0 : index
    %get3A_0 = arith.constant 0 : index
    %get3A_1 = vector.load %arg2[%get3A, %get3A_0] : memref<400x128xf32, #tpu.memory_space<vmem>>, vector<400x128xf32>
    %convert_element_type3A = arith.truncf %get3A_1 : vector<400x128xf32> to vector<400x128xbf16>
    %get3A_2 = arith.constant 0 : index
    %get3A_3 = arith.constant 0 : index
    %get3A_4 = vector.load %arg1[%get3A_2, %get3A_3] : memref<400x64xf32, #tpu.memory_space<vmem>>, vector<400x64xf32>
    %convert_element_type3A_5 = arith.truncf %get3A_4 : vector<400x64xf32> to vector<400x64xbf16>
    %get3A_6 = arith.constant 0 : index
    %get3A_7 = arith.constant 0 : index
    %get3A_8 = vector.load %arg3[%get3A_6, %get3A_7] : memref<64x4096xbf16, #tpu.memory_space<vmem>>, vector<64x4096xbf16>
    %dot_general3A = arith.constant dense<0.000000e+00> : vector<400x4096xf32>
    %dot_general3A_9 = tpu.matmul %convert_element_type3A_5, %get3A_8, %dot_general3A {dimension_numbers = #tpu.dot_dimension_numbers<[1], [0], [0], [1], [0, 0, 1, 1], [], []>, transpose_lhs_hint = false} : vector<400x64xbf16>, vector<64x4096xbf16>, vector<400x4096xf32> -> vector<400x4096xf32>
    %get3A_10 = arith.constant 0 : index
    %get3A_11 = arith.constant 0 : index
    %get3A_12 = vector.load %arg4[%get3A_10, %get3A_11] : memref<128x4096xbf16, #tpu.memory_space<vmem>>, vector<128x4096xbf16>
    %dot_general3A_13 = arith.constant dense<0.000000e+00> : vector<400x4096xf32>
    %dot_general3A_14 = tpu.matmul %convert_element_type3A, %get3A_12, %dot_general3A_13 {dimension_numbers = #tpu.dot_dimension_numbers<[1], [0], [0], [1], [0, 0, 1, 1], [], []>, transpose_lhs_hint = false} : vector<400x128xbf16>, vector<128x4096xbf16>, vector<400x4096xf32> -> vector<400x4096xf32>
    %mul3A = arith.mulf %dot_general3A_14, %dot_general3A_9 : vector<400x4096xf32>
    %slice3A = vector.extract_strided_slice %mul3A {offsets = [0, 0], sizes = [400, 512], strides = [1, 1]} : vector<400x4096xf32> to vector<400x512xf32>
    %slice3A_15 = vector.extract_strided_slice %mul3A {offsets = [0, 512], sizes = [400, 512], strides = [1, 1]} : vector<400x4096xf32> to vector<400x512xf32>
    %add3A = arith.addf %slice3A, %slice3A_15 : vector<400x512xf32>
    %slice3A_16 = vector.extract_strided_slice %mul3A {offsets = [0, 1024], sizes = [400, 512], strides = [1, 1]} : vector<400x4096xf32> to vector<400x512xf32>
    %slice3A_17 = vector.extract_strided_slice %mul3A {offsets = [0, 1536], sizes = [400, 512], strides = [1, 1]} : vector<400x4096xf32> to vector<400x512xf32>
    %add3A_18 = arith.addf %slice3A_16, %slice3A_17 : vector<400x512xf32>
    %slice3A_19 = vector.extract_strided_slice %mul3A {offsets = [0, 2048], sizes = [400, 512], strides = [1, 1]} : vector<400x4096xf32> to vector<400x512xf32>
    %slice3A_20 = vector.extract_strided_slice %mul3A {offsets = [0, 2560], sizes = [400, 512], strides = [1, 1]} : vector<400x4096xf32> to vector<400x512xf32>
    %add3A_21 = arith.addf %slice3A_19, %slice3A_20 : vector<400x512xf32>
    %slice3A_22 = vector.extract_strided_slice %mul3A {offsets = [0, 3072], sizes = [400, 512], strides = [1, 1]} : vector<400x4096xf32> to vector<400x512xf32>
    %slice3A_23 = vector.extract_strided_slice %mul3A {offsets = [0, 3584], sizes = [400, 512], strides = [1, 1]} : vector<400x4096xf32> to vector<400x512xf32>
    %add3A_24 = arith.addf %slice3A_22, %slice3A_23 : vector<400x512xf32>
    %concatenate3A = tpu.concatenate %add3A, %add3A_18, %add3A_21, %add3A_24 in 1 : vector<400x512xf32>, vector<400x512xf32>, vector<400x512xf32>, vector<400x512xf32> -> vector<400x2048xf32>
    %slice3A_25 = vector.extract_strided_slice %concatenate3A {offsets = [0, 0], sizes = [400, 256], strides = [1, 1]} : vector<400x2048xf32> to vector<400x256xf32>
    %slice3A_26 = vector.extract_strided_slice %concatenate3A {offsets = [0, 256], sizes = [400, 256], strides = [1, 1]} : vector<400x2048xf32> to vector<400x256xf32>
    %add3A_27 = arith.addf %slice3A_25, %slice3A_26 : vector<400x256xf32>
    %slice3A_28 = vector.extract_strided_slice %concatenate3A {offsets = [0, 512], sizes = [400, 256], strides = [1, 1]} : vector<400x2048xf32> to vector<400x256xf32>
    %slice3A_29 = vector.extract_strided_slice %concatenate3A {offsets = [0, 768], sizes = [400, 256], strides = [1, 1]} : vector<400x2048xf32> to vector<400x256xf32>
    %add3A_30 = arith.addf %slice3A_28, %slice3A_29 : vector<400x256xf32>
    %slice3A_31 = vector.extract_strided_slice %concatenate3A {offsets = [0, 1024], sizes = [400, 256], strides = [1, 1]} : vector<400x2048xf32> to vector<400x256xf32>
    %slice3A_32 = vector.extract_strided_slice %concatenate3A {offsets = [0, 1280], sizes = [400, 256], strides = [1, 1]} : vector<400x2048xf32> to vector<400x256xf32>
    %add3A_33 = arith.addf %slice3A_31, %slice3A_32 : vector<400x256xf32>
    %slice3A_34 = vector.extract_strided_slice %concatenate3A {offsets = [0, 1536], sizes = [400, 256], strides = [1, 1]} : vector<400x2048xf32> to vector<400x256xf32>
    %slice3A_35 = vector.extract_strided_slice %concatenate3A {offsets = [0, 1792], sizes = [400, 256], strides = [1, 1]} : vector<400x2048xf32> to vector<400x256xf32>
    %add3A_36 = arith.addf %slice3A_34, %slice3A_35 : vector<400x256xf32>
    %concatenate3A_37 = tpu.concatenate %add3A_27, %add3A_30, %add3A_33, %add3A_36 in 1 : vector<400x256xf32>, vector<400x256xf32>, vector<400x256xf32>, vector<400x256xf32> -> vector<400x1024xf32>
    %slice3A_38 = vector.extract_strided_slice %concatenate3A_37 {offsets = [0, 0], sizes = [400, 128], strides = [1, 1]} : vector<400x1024xf32> to vector<400x128xf32>
    %slice3A_39 = vector.extract_strided_slice %concatenate3A_37 {offsets = [0, 128], sizes = [400, 128], strides = [1, 1]} : vector<400x1024xf32> to vector<400x128xf32>
    %add3A_40 = arith.addf %slice3A_38, %slice3A_39 : vector<400x128xf32>
    %slice3A_41 = vector.extract_strided_slice %concatenate3A_37 {offsets = [0, 256], sizes = [400, 128], strides = [1, 1]} : vector<400x1024xf32> to vector<400x128xf32>
    %slice3A_42 = vector.extract_strided_slice %concatenate3A_37 {offsets = [0, 384], sizes = [400, 128], strides = [1, 1]} : vector<400x1024xf32> to vector<400x128xf32>
    %add3A_43 = arith.addf %slice3A_41, %slice3A_42 : vector<400x128xf32>
    %slice3A_44 = vector.extract_strided_slice %concatenate3A_37 {offsets = [0, 512], sizes = [400, 128], strides = [1, 1]} : vector<400x1024xf32> to vector<400x128xf32>
    %slice3A_45 = vector.extract_strided_slice %concatenate3A_37 {offsets = [0, 640], sizes = [400, 128], strides = [1, 1]} : vector<400x1024xf32> to vector<400x128xf32>
    %add3A_46 = arith.addf %slice3A_44, %slice3A_45 : vector<400x128xf32>
    %slice3A_47 = vector.extract_strided_slice %concatenate3A_37 {offsets = [0, 768], sizes = [400, 128], strides = [1, 1]} : vector<400x1024xf32> to vector<400x128xf32>
    %slice3A_48 = vector.extract_strided_slice %concatenate3A_37 {offsets = [0, 896], sizes = [400, 128], strides = [1, 1]} : vector<400x1024xf32> to vector<400x128xf32>
    %add3A_49 = arith.addf %slice3A_47, %slice3A_48 : vector<400x128xf32>
    %concatenate3A_50 = tpu.concatenate %add3A_40, %add3A_43, %add3A_46, %add3A_49 in 1 : vector<400x128xf32>, vector<400x128xf32>, vector<400x128xf32>, vector<400x128xf32> -> vector<400x512xf32>
    %slice3A_51 = vector.extract_strided_slice %concatenate3A_50 {offsets = [0, 0], sizes = [400, 64], strides = [1, 1]} : vector<400x512xf32> to vector<400x64xf32>
    %slice3A_52 = vector.extract_strided_slice %concatenate3A_50 {offsets = [0, 64], sizes = [400, 64], strides = [1, 1]} : vector<400x512xf32> to vector<400x64xf32>
    %add3A_53 = arith.addf %slice3A_51, %slice3A_52 : vector<400x64xf32>
    %slice3A_54 = vector.extract_strided_slice %concatenate3A_50 {offsets = [0, 128], sizes = [400, 64], strides = [1, 1]} : vector<400x512xf32> to vector<400x64xf32>
    %slice3A_55 = vector.extract_strided_slice %concatenate3A_50 {offsets = [0, 192], sizes = [400, 64], strides = [1, 1]} : vector<400x512xf32> to vector<400x64xf32>
    %add3A_56 = arith.addf %slice3A_54, %slice3A_55 : vector<400x64xf32>
    %slice3A_57 = vector.extract_strided_slice %concatenate3A_50 {offsets = [0, 256], sizes = [400, 64], strides = [1, 1]} : vector<400x512xf32> to vector<400x64xf32>
    %slice3A_58 = vector.extract_strided_slice %concatenate3A_50 {offsets = [0, 320], sizes = [400, 64], strides = [1, 1]} : vector<400x512xf32> to vector<400x64xf32>
    %add3A_59 = arith.addf %slice3A_57, %slice3A_58 : vector<400x64xf32>
    %slice3A_60 = vector.extract_strided_slice %concatenate3A_50 {offsets = [0, 384], sizes = [400, 64], strides = [1, 1]} : vector<400x512xf32> to vector<400x64xf32>
    %slice3A_61 = vector.extract_strided_slice %concatenate3A_50 {offsets = [0, 448], sizes = [400, 64], strides = [1, 1]} : vector<400x512xf32> to vector<400x64xf32>
    %add3A_62 = arith.addf %slice3A_60, %slice3A_61 : vector<400x64xf32>
    %concatenate3A_63 = tpu.concatenate %add3A_53, %add3A_56, %add3A_59, %add3A_62 in 1 : vector<400x64xf32>, vector<400x64xf32>, vector<400x64xf32>, vector<400x64xf32> -> vector<400x256xf32>
    %slice3A_64 = vector.extract_strided_slice %concatenate3A_63 {offsets = [0, 0], sizes = [400, 32], strides = [1, 1]} : vector<400x256xf32> to vector<400x32xf32>
    %slice3A_65 = vector.extract_strided_slice %concatenate3A_63 {offsets = [0, 32], sizes = [400, 32], strides = [1, 1]} : vector<400x256xf32> to vector<400x32xf32>
    %add3A_66 = arith.addf %slice3A_64, %slice3A_65 : vector<400x32xf32>
    %slice3A_67 = vector.extract_strided_slice %concatenate3A_63 {offsets = [0, 64], sizes = [400, 32], strides = [1, 1]} : vector<400x256xf32> to vector<400x32xf32>
    %slice3A_68 = vector.extract_strided_slice %concatenate3A_63 {offsets = [0, 96], sizes = [400, 32], strides = [1, 1]} : vector<400x256xf32> to vector<400x32xf32>
    %add3A_69 = arith.addf %slice3A_67, %slice3A_68 : vector<400x32xf32>
    %slice3A_70 = vector.extract_strided_slice %concatenate3A_63 {offsets = [0, 128], sizes = [400, 32], strides = [1, 1]} : vector<400x256xf32> to vector<400x32xf32>
    %slice3A_71 = vector.extract_strided_slice %concatenate3A_63 {offsets = [0, 160], sizes = [400, 32], strides = [1, 1]} : vector<400x256xf32> to vector<400x32xf32>
    %add3A_72 = arith.addf %slice3A_70, %slice3A_71 : vector<400x32xf32>
    %slice3A_73 = vector.extract_strided_slice %concatenate3A_63 {offsets = [0, 192], sizes = [400, 32], strides = [1, 1]} : vector<400x256xf32> to vector<400x32xf32>
    %slice3A_74 = vector.extract_strided_slice %concatenate3A_63 {offsets = [0, 224], sizes = [400, 32], strides = [1, 1]} : vector<400x256xf32> to vector<400x32xf32>
    %add3A_75 = arith.addf %slice3A_73, %slice3A_74 : vector<400x32xf32>
    %concatenate3A_76 = tpu.concatenate %add3A_66, %add3A_69, %add3A_72, %add3A_75 in 1 : vector<400x32xf32>, vector<400x32xf32>, vector<400x32xf32>, vector<400x32xf32> -> vector<400x128xf32>
    %get3A_77 = arith.constant 0 : index
    %get3A_78 = arith.constant 0 : index
    %get3A_79 = vector.load %arg5[%get3A_77, %get3A_78] : memref<128x128xbf16, #tpu.memory_space<vmem>>, vector<128x128xbf16>
    %dot_general3A_80 = arith.constant dense<0.000000e+00> : vector<400x128xf32>
    %dot_general3A_81 = tpu.matmul %convert_element_type3A, %get3A_79, %dot_general3A_80 {dimension_numbers = #tpu.dot_dimension_numbers<[1], [0], [0], [1], [0, 0, 1, 1], [], []>, transpose_lhs_hint = false} : vector<400x128xbf16>, vector<128x128xbf16>, vector<400x128xf32> -> vector<400x128xf32>
    %add3A_82 = arith.addf %concatenate3A_76, %dot_general3A_81 : vector<400x128xf32>
    %swap3A = arith.constant 0 : index
    %swap3A_83 = arith.constant 0 : index
    %swap3A_84 = vector.load %arg6[%swap3A, %swap3A_83] : memref<400x128xf32, #tpu.memory_space<vmem>>, vector<400x128xf32>
    tpu.vector_store %arg6[%swap3A, %swap3A_83], %add3A_82 {strides = array<i32>} : memref<400x128xf32, #tpu.memory_space<vmem>>, vector<400x128xf32>,
    return
  }
  func.func @transform_0(%arg0: i32) -> (i32, i32) {
    %c0_i32 = arith.constant 0 : i32
    %c0_i32_0 = arith.constant 0 : i32
    return %arg0, %c0_i32 : i32, i32
  }
  func.func @transform_1(%arg0: i32) -> (i32, i32) {
    %c0_i32 = arith.constant 0 : i32
    %c0_i32_0 = arith.constant 0 : i32
    return %arg0, %c0_i32 : i32, i32
  }
  func.func @transform_2(%arg0: i32) -> (i32, i32) {
    %c0_i32 = arith.constant 0 : i32
    %c0_i32_0 = arith.constant 0 : i32
    %c0_i32_1 = arith.constant 0 : i32
    return %c0_i32, %c0_i32_0 : i32, i32
  }
  func.func @transform_3(%arg0: i32) -> (i32, i32) {
    %c0_i32 = arith.constant 0 : i32
    %c0_i32_0 = arith.constant 0 : i32
    %c0_i32_1 = arith.constant 0 : i32
    return %c0_i32, %c0_i32_0 : i32, i32
  }
  func.func @transform_4(%arg0: i32) -> (i32, i32) {
    %c0_i32 = arith.constant 0 : i32
    %c0_i32_0 = arith.constant 0 : i32
    %c0_i32_1 = arith.constant 0 : i32
    return %c0_i32, %c0_i32_0 : i32, i32
  }
  func.func @transform_5(%arg0: i32) -> (i32, i32) {
    %c0_i32 = arith.constant 0 : i32
    %c0_i32_0 = arith.constant 0 : i32
    return %arg0, %c0_i32 : i32, i32
  }
}

module attributes {stable_mosaic.version = 14 : i64} {
  func.func @_tc_final_body(%arg0: memref<10000x32xf32, #tpu.memory_space<vmem>>, %arg1: memref<10000x32xf32, #tpu.memory_space<vmem>>, %arg2: memref<10000x32xf32, #tpu.memory_space<vmem>>, %arg3: memref<32x32xf32, #tpu.memory_space<vmem>>, %arg4: memref<1x32xf32, #tpu.memory_space<vmem>>, %arg5: memref<10000x32xf32, #tpu.memory_space<vmem>>) attributes {dimension_semantics = [], scalar_prefetch = 0 : i64, scratch_operands = 0 : i64, tpu.core_type = #tpu.core_type<tc>} {
    %get3A = arith.constant 0 : index
    %get3A_0 = arith.constant 0 : index
    %get3A_1 = vector.load %arg2[%get3A, %get3A_0] : memref<10000x32xf32, #tpu.memory_space<vmem>>, vector<10000x32xf32>
    %get3A_2 = arith.constant 0 : index
    %get3A_3 = arith.constant 0 : index
    %get3A_4 = vector.load %arg3[%get3A_2, %get3A_3] : memref<32x32xf32, #tpu.memory_space<vmem>>, vector<32x32xf32>
    %dot_general3A = arith.constant dense<0.000000e+00> : vector<10000x32xf32>
    %dot_general3A_5 = tpu.matmul %get3A_1, %get3A_4, %dot_general3A {dimension_numbers = #tpu.dot_dimension_numbers<[1], [0], [0], [1], [0, 0, 1, 1], [], []>, transpose_lhs_hint = false} : vector<10000x32xf32>, vector<32x32xf32>, vector<10000x32xf32> -> vector<10000x32xf32>
    %get3A_6 = arith.constant 0 : index
    %get3A_7 = arith.constant 0 : index
    %get3A_8 = vector.load %arg0[%get3A_6, %get3A_7] : memref<10000x32xf32, #tpu.memory_space<vmem>>, vector<10000x32xf32>
    %get3A_9 = arith.constant 0 : index
    %get3A_10 = arith.constant 0 : index
    %get3A_11 = vector.load %arg1[%get3A_9, %get3A_10] : memref<10000x32xf32, #tpu.memory_space<vmem>>, vector<10000x32xf32>
    %add3A = arith.addf %get3A_8, %get3A_11 : vector<10000x32xf32>
    %add3A_12 = arith.addf %add3A, %dot_general3A_5 : vector<10000x32xf32>
    %get3A_13 = arith.constant 0 : index
    %get3A_14 = arith.constant 0 : index
    %get3A_15 = vector.load %arg4[%get3A_13, %get3A_14] : memref<1x32xf32, #tpu.memory_space<vmem>>, vector<1x32xf32>
    %add3A_16 = vector.broadcast %get3A_15 : vector<1x32xf32> to vector<10000x32xf32>
    %add3A_17 = arith.addf %add3A_12, %add3A_16 : vector<10000x32xf32>
    %max3A = arith.constant 0.000000e+00 : f32
    %max3A_18 = vector.broadcast %max3A : f32 to vector<10000x32xf32>
    %max3A_19 = arith.maximumf %add3A_17, %max3A_18 : vector<10000x32xf32>
    %swap3A = arith.constant 0 : index
    %swap3A_20 = arith.constant 0 : index
    %swap3A_21 = vector.load %arg5[%swap3A, %swap3A_20] : memref<10000x32xf32, #tpu.memory_space<vmem>>, vector<10000x32xf32>
    tpu.vector_store %arg5[%swap3A, %swap3A_20], %max3A_19 {strides = array<i32>} : memref<10000x32xf32, #tpu.memory_space<vmem>>, vector<10000x32xf32>,
    return
  }
}

</mosaic_0001>

<sc_bundles>
// kernel: kernel.6.cloned.1.call-start
scs
__scs_entry_jumppad:
0x0: {  	(pc) =	sbr.rel $0x88, $3  }
0x1: {  	(tag) =	ssettag $0x0;
	lr =	simm.s32 $0x1  }
0x2: {  	[smem:$0x3F98] =	sst lr;
	_ =	strace $0xD0000000  }
0x3: {  	_ = 	snop  }
0x4: {  	_ = 	snop  }
0x5: {  	_ = 	snop  }
0x6: {  	_ = 	snop  }
0x7: {  	_ = 	snop  }
__scs_overlays_trampoline_lowered:
0x8: {  	[smem:$0x3FA7] =	sst s0  }
0x9: {  	[smem:$0x3FA8] =	sst s1  }
0xa: {  	[smem:$0x3FA9] =	sst s2  }
0xb: {  	[smem:$0x3FAA] =	sst s3  }
0xc: {  	[smem:$0x3FAB] =	sst s4  }
0xd: {  	[smem:$0x3FAC] =	sst s5  }
0xe: {  	[smem:$0x3FAD] =	sst s6  }
0xf: {  	[smem:$0x3FAE] =	sst s7  }
0x10: {  	[smem:$0x3FAF] =	sst s8  }
0x11: {  	[smem:$0x3FB0] =	sst s9;
	s0 =	simm.s32 @!p0 $0x0  }
0x12: {  	s1 =	sld [smem:$0x3F96];
	s0 =	simm.s32 @p0 $0x1  }
0x13: {  	[smem:$0x3FB1] =	sst s0;
	s0 =	simm.s32 @!p1 $0x0  }
0x14: {  	s2 =	sld [smem:$0x3F95];
	s0 =	simm.s32 @p1 $0x1  }
0x15: {  	[smem:$0x3FB2] =	sst s0;
	s0 =	simm.s32 @!p2 $0x0  }
0x16: {  	s3 =	sld [smem:$0x3FDB];
	s0 =	simm.s32 @p2 $0x1  }
0x17: {  	s4 =	simm.s32 $0x1BF5;
	[smem:$0x3FB4] =	sst s0  }
0x18: {  	s0 =	sld [smem:$0x3F97];
	_ =	swait.ge [sflag:s4], $0x0  }
0x19: {  	s7 =	sld [smem:$0x3F98]  }
0x1a: {  	s8 =	sadd.s32 $0xFFFFE003, lr  }
0x1b: {  	s9 =	sadd.s32 $0xFFFFFEF7, lr;
	s5 =	simm.s32 $0xFFFFFFFF;
	p2 =	slt.u32 s8, $0xFFFFF086  }
0x1c: {  	p1 =	slt.u32 s9, $0xF7A;
	s5 =	simm.s32 @!p2 $0x0  }
0x1d: {  	s5 =	simm.s32 @p1 $0x1;
	p0 =	seq.s32 s7, s2  }
0x1e: {  	s7 =	smul.u32 @!p0 $0xF7A, s2;
	p2 =	seq.s32 @!p0 s5, $0x0  }
0x1f: {  	s9 =	smul.u32 $0xF7A, s1;
	s8 =	simm.s32 @!p0 $0x1BF5;
	p2 =	por !p2, p0  }
0x20: {  	[sflag:s8] =	ssyncset.s32 @!p0 $0xFFFFF086;
	s6 =	sadd.s32 @!p0 s3, s7;
	s7 =	simm.s32 @!p0 $0x108  }
0x21: {  	s3 =	sadd.s32 s3, s9;
	s6 =	sadd.s32 @!p0 $0x88, s6;
	s7 =	simm.s32 @p2 $0x1082  }
0x22: {  	[simem:s7], [sflag:s8] =	dma.local @!p0 [hbm:s6], $0xF7A  }
0x23: {  	s9 =	sor.u32 $0xD0000000, s2;
	s6 =	simm.s32 $0x108;
	_ =	swait.ge @!p0 [sflag:s8], $0x0  }
0x24: {  	s3 =	sadd.s32 $0x88, s3;
	s6 =	simm.s32 @!p1 $0x1082;
	[sflag:s4] =	ssyncset.s32 $0xFFFFF086  }
0x25: {  	[simem:s6], [sflag:s4] =	dma.local [hbm:s3], $0xF7A  }
0x26: {  	[smem:$0x3F98] =	sst s1;
	(tag) =	ssettag s2;
	_ =	strace s9  }
0x27: {  	s1 =	sld [smem:$0x3FA8]  }
0x28: {  	s2 =	sld [smem:$0x3FA9]  }
0x29: {  	s4 =	sld [smem:$0x3FAB]  }
0x2a: {  	p0 =	seq.s32 s5, $0x0;
	s5 =	sld [smem:$0x3FAC]  }
0x2b: {  	s6 =	sld [smem:$0x3FAD]  }
0x2c: {  	s7 =	sld [smem:$0x3FAE]  }
0x2d: {  	s3 =	simm.s32 $0x108;
	s8 =	sld [smem:$0x3FAF]  }
0x2e: {  	s3 =	simm.s32 @!p0 $0x1082;
	s9 =	sld [smem:$0x3FB0]  }
0x2f: {  	lr =	sadd.s32 s0, s3;
	s0 =	sld [smem:$0x3FA7]  }
0x30: {  	s3 =	sld [smem:$0x3FAA]  }
0x31: {  	[smem:$0x3FB3] =	sst s10  }
0x32: {  	s10 =	sld [smem:$0x3FB1];
	_ =	sdelay $0x3  }
0x33: {  	p0 =	seq.s32 s10, $0x1;
	s10 =	sld [smem:$0x3FB3];
	_ =	sdelay $0x3  }
0x34: {  	[smem:$0x3FB3] =	sst s10  }
0x35: {  	s10 =	sld [smem:$0x3FB2];
	_ =	sdelay $0x3  }
0x36: {  	p1 =	seq.s32 s10, $0x1;
	s10 =	sld [smem:$0x3FB3];
	_ =	sdelay $0x3  }
0x37: {  	[smem:$0x3FB3] =	sst s10  }
0x38: {  	s10 =	sld [smem:$0x3FB4]  }
0x39: {  	_ = 	snop;
	(pc) =	sbr.ind lr, $3  }
0x3a: {  	_ = 	snop  }
0x3b: {  	_ = 	snop  }
0x3c: {  	p2 =	seq.s32 s10, $0x1;
	s10 =	sld [smem:$0x3FB3]  }
0x3d: {  	_ =	shalt  }
0x3e: {  	_ =	shalt  }
0x3f: {  	_ =	shalt  }
0x40: {  	_ =	shalt  }
0x41: {  	_ =	shalt  }
0x42: {  	_ =	shalt  }
0x43: {  	_ =	shalt  }
0x44: {  	_ =	shalt  }
0x45: {  	_ =	shalt  }
0x46: {  	_ =	shalt  }
0x47: {  	_ =	shalt  }
0x48: {  	_ =	shalt  }
0x49: {  	_ =	shalt  }
0x4a: {  	_ =	shalt  }
0x4b: {  	_ =	shalt  }
0x4c: {  	_ =	shalt  }
0x4d: {  	_ =	shalt  }
0x4e: {  	_ =	shalt  }
0x4f: {  	_ =	shalt  }
0x50: {  	_ =	shalt  }
0x51: {  	_ =	shalt  }
0x52: {  	_ =	shalt  }
0x53: {  	_ =	shalt  }
0x54: {  	_ =	shalt  }
0x55: {  	_ =	shalt  }
0x56: {  	_ =	shalt  }
0x57: {  	_ =	shalt  }
0x58: {  	_ =	shalt  }
0x59: {  	_ =	shalt  }
0x5a: {  	_ =	shalt  }
0x5b: {  	_ =	shalt  }
0x5c: {  	_ =	shalt  }
0x5d: {  	_ =	shalt  }
0x5e: {  	_ =	shalt  }
0x5f: {  	_ =	shalt  }
0x60: {  	_ =	shalt  }
0x61: {  	_ =	shalt  }
0x62: {  	_ =	shalt  }
0x63: {  	_ =	shalt  }
0x64: {  	_ =	shalt  }
0x65: {  	_ =	shalt  }
0x66: {  	_ =	shalt  }
0x67: {  	_ =	shalt  }
0x68: {  	_ =	shalt  }
0x69: {  	_ =	shalt  }
0x6a: {  	_ =	shalt  }
0x6b: {  	_ =	shalt  }
0x6c: {  	_ =	shalt  }
0x6d: {  	_ =	shalt  }
0x6e: {  	_ =	shalt  }
0x6f: {  	_ =	shalt  }
0x70: {  	_ =	shalt  }
0x71: {  	_ =	shalt  }
0x72: {  	_ =	shalt  }
0x73: {  	_ =	shalt  }
0x74: {  	_ =	shalt  }
0x75: {  	_ =	shalt  }
0x76: {  	_ =	shalt  }
0x77: {  	_ =	shalt  }
0x78: {  	_ =	shalt  }
0x79: {  	_ =	shalt  }
0x7a: {  	_ =	shalt  }
0x7b: {  	_ =	shalt  }
0x7c: {  	_ =	shalt  }
0x7d: {  	_ =	shalt  }
0x7e: {  	_ =	shalt  }
0x7f: {  	_ =	shalt  }
0x80: {  	_ =	shalt  }
0x81: {  	_ =	shalt  }
0x82: {  	_ =	shalt  }
0x83: {  	_ =	shalt  }
0x84: {  	_ =	shalt  }
0x85: {  	_ =	shalt  }
0x86: {  	_ =	shalt  }
0x87: {  	_ =	shalt  }
.Lfunc_end0:
.L_simem_size_0:
called_computation_lowered:
.L_overlay_start_0:
0x88: {  	s2 =	sld [smem:$0x3FD9]  }
0x89: {  	s3 =	sld [smem:$0x3FFE];
	_ =	sdelay $0x1  }
0x8a: {  	s1 =	srdreg.scid  }
0x8b: {  	s0 =	sand.u32 $0x1, s1  }
0x8c: {  	s17 =	sshll.u32 s0, $0xA;
	s2 =	sadd.s32 s3, s2  }
0x8d: {  	s2 =	sadd.s32 s2, s17  }
0x8e: {  	[smem:$0x3FBF] =	sst s2  }
0x8f: {  	_ = 	snop  }
0x90: {  	s2 =	sld [smem:$0x3FD0];
	(tm) =	ssettm $0x1  }
0x91: {  	s18 =	sld [smem:$0x3FFB];
	_ =	sdelay $0x3  }
0x92: {  	_ =	strace s18  }
0x93: {  	s3 =	sld [smem:$0x3FFC];
	_ =	sdelay $0x3  }
0x94: {  	_ =	strace s3  }
0x95: {  	s3 =	sld [smem:$0x3FFD];
	_ =	sdelay $0x3  }
0x96: {  	_ =	strace s3  }
0x97: {  	_ =	strace $0x8FFFFFFF  }
0x98: {  	s19 =	sld [smem:$0x3FDB];
	_ =	sdelay $0x1  }
0x99: {  	s4 =	simm.s32 $_scs_section_size  }
0x9a: {  	s5 =	simm.s32 $_size__tile_overlayer_lowered;
	s6 =	simm.s32 $_tile_overlayer_lowered  }
0x9b: {  	s22 =	simm.s32 $0x1BFF;
	s21 =	sshll.u32 s6, $0x1;
	s3 =	sadd.s32 s4, s19  }
0x9c: {  	s7 =	simm.s32 $0x0;
	s20 =	sshll.u32 s5, $0x1;
	s5 =	sadd.s32 s21, s3  }
0x9d: {  	[timem:s7], [sflag:s22] =	dma.local [hbm:s5], s20  }
0x9e: {  	_ =	swait.ge [sflag:s22], s20  }
0x9f: {  	s4 =	ssub.s32 $0x0, s20;
	[sflag:s22] =	ssyncset.done $0x0  }
0xa0: {  	[sflag:s22] =	ssyncadd.s32 s4;
	_ =	sdelay $0x1  }
0xa1: {  	s23 =	simm.s32 $0x1B8B  }
0xa2: {  	_ =	swait.ge [sflag:s23], $0x1  }
0xa3: {  	[sflag:s23] =	ssyncset.done $0x0  }
0xa4: {  	s25 =	simm.s32 $0x1B8E;
	s24 =	sld [smem:$0x3FFE];
	[sflag:s23] =	ssyncadd.s32 $0xFFFFFFFF  }
0xa5: {  	s26 =	simm.s32 $execute0_lowered;
	[smem:$0x3FD2] =	sst s25  }
0xa6: {  	s5 =	sshll.u32 s26, $0x1;
	_ =	strace $0x80000046;
	[dreg:$0x1] =	wrdreg $0xFFFFFFFF  }
0xa7: {  	s28 =	simm.s32 $_size_execute0_lowered;
	s3 =	sadd.s32 s3, s5;
	[dreg:$0x0] =	wrdreg $0x0  }
0xa8: {  	s5 =	sshll.u32 s28, $0x1;
	[dreg:$0x2] =	wrdreg s3  }
0xa9: {  	[dreg:$0x3] =	wrdreg s5  }
0xaa: {  	[dreg:$0x4] =	wrdreg $0xC0  }
0xab: {  	_ =	task [dreg:s7], $0x5FFFF  }
0xac: {  	[dreg:$0x1] =	wrdreg $0xFFFFFFFF  }
0xad: {  	[dreg:$0x0] =	wrdreg $0x60  }
0xae: {  	[dreg:$0x2] =	wrdreg s2  }
0xaf: {  	[dreg:$0x3] =	wrdreg s24  }
0xb0: {  	[dreg:$0x4] =	wrdreg $0x9  }
0xb1: {  	_ =	task.clear_ibuf [dreg:s7], $0x5FFFF;
	_ =	strace $0x90000046  }
0xb2: {  	s29 =	simm.s32 $0x9;
	_ =	strace $0x80000048  }
0xb3: {  	_ =	swait.ge [sflag:s29], $0x1  }
0xb4: {  	[sflag:s29] =	ssyncadd.s32 $0xFFFFFFFF  }
0xb5: {  	_ =	strace $0x90000048  }
0xb6: {  	_ =	sfence  }
0xb7: {  	s30 =	sld [smem:$0x0];
	_ =	sdelay $0x2  }
0xb8: {  	s31 =	sshll.u32 s1, $0xD;
	s1 =	sshrl.u32 s1, $0x2  }
0xb9: {  	s3 =	sand.u32 $0x4000, s31;
	s1 =	sadd.s32 s1, s30  }
0xba: {  	s0 =	sor.u32 s3, s0;
	s1 =	sshll.u32 s1, $0x11  }
0xbb: {  	s0 =	sor.u32 s1, s0  }
0xbc: {  	s0 =	sadd.s32 $0x8F2B, s0  }
0xbd: {  	[sflag:s0] =	ssyncadd.remote.s32 $0x1  }
0xbe: {  	_ =	sfence.sel $0xFFFF  }
0xbf: {  	[dreg:$0x0] =	wrdreg $0xFFFFFFFF;
	(pc) =	sbr.abs _section_cstart, $3  }
0xc0: {  	[dreg:$0x1] =	wrdreg $0xFFFFFFFF  }
0xc1: {  	_ =	task.clear_ibuf [dreg:s7], $0x2FFFF;
	_ =	strace $0x9FFFFFFF  }
0xc2: {  	(tm) =	ssettm $0x7FFFFFFF  }
0xc3: {  	_ =	shalt  }
tec
execute0_lowered:
.L_overlay_start_1:
0x0: {  	(tag) =	ssettag $0x1  }
0x1: {  	s2 =	rddreg [dreg:$0x0];
	s0 =	srdreg.scid  }
0x2: {  	s3 =	stileid.u32;
	s1 =	rddreg [dreg:$0x1]  }
0x3: {  	s8 =	simm.s32 $0x2;
	s9 =	simm.s32 $0x7D;
	s10 =	simm.s32 $0x1400  }
0x4: {  	s11 =	simm.s32 $0x23A0;
	s12 =	simm.s32 $0x3340;
	s13 =	simm.s32 $0x42E0  }
0x5: {  	s14 =	simm.s32 $0x5280;
	s15 =	simm.s32 $0x6220;
	s16 =	simm.s32 $0x71C0  }
0x6: {  	s17 =	simm.s32 $0x8160;
	s18 =	simm.s32 $0x9100;
	s19 =	simm.s32 $0xA0A0  }
0x7: {  	s20 =	simm.s32 $0xB040;
	s21 =	simm.s32 $0xBFE0;
	s22 =	simm.s32 $0xCF80  }
0x8: {  	s23 =	simm.s32 $0xDF20;
	s24 =	simm.s32 $0xEEC0;
	s28 =	simm.s32 $0x11DA0  }
0x9: {  	s29 =	simm.s32 $0x12D40;
	s0 =	sand.u32 $0x1, s0;
	s4 =	sshll.u32 s3, $0x1  }
0xa: {  	s30 =	simm.s32 $0x13CE0;
	s3 =	simm.s32 $0x0;
	s5 =	sor.u32 s0, s4  }
0xb: {  	[smem:$0x7FF] =	sst s3;
	s0 =	ssub.s32 $0x2, s0;
	s4 =	smul.u32 $0x280, s5  }
0xc: {  	s31 =	simm.s32 $0x0;
	_ =	strace $0x80000047;
	s25 =	sshrl.u32 s0, $0x1  }
0xd: {  	s5 =	smul.u32 $0x1388, s5;
	s0 =	ssub.s32 s0, s25;
	s6 =	sadd.s32 s4, s1  }
0xe: {  	s25 =	simm.s32 $0xFE60;
	s4 =	sadd.s32 $0x6E00, s1;
	s26 =	sadd.s32 $0x1E00, s6  }
0xf: {  	s7 =	smax.u32 s0, $0x1;
	[dreg:$0x3] =	wrdreg s26;
	s26 =	simm.s32 $0x10E00  }
.LBB2_1:
0x10: {  	s0 =	rddreg [dreg:$0x3]  }
0x11: {  	[tilespmem:s3], [sflag:$0x2] =	stream.linear.gather [hbm4b:s0+s3], $0x1400, $0x38;
	[tilespmem:$0x14C80] =	vst v63  }
0x12: {  	_ =	swait.ge [sflag:s8], $0x1400  }
0x13: {  	[sflag:s8] =	ssyncset.done $0x0  }
0x14: {  	p0 =	por $0x1, $0x1;
	s1 =	simm.s32 $0x0;
	[sflag:s8] =	ssyncadd.s32 $0xFFFFEC00  }
.LBB2_2:
0x15: {  	s0 =	smul.u32 $0x2800, s1;
	_ =	sdelay $0x1  }
0x16: {  	s0 =	sshra.s32 s0, $0x2  }
0x17: {  	[tilespmem:s10], [sflag:$0x1] =	stream.indirect.gather [hbm4b:s2+s9], $0x20, s0, s9, $0xb8;
	[tilespmem:$0x14C80] =	vst v63  }
0x18: {  	s6 =	sor.u32 $0x80, s0  }
0x19: {  	[tilespmem:s11], [sflag:$0x1] =	stream.indirect.gather [hbm4b:s2+s9], $0x20, s6, s9, $0xb8;
	[tilespmem:$0x14C80] =	vst v63  }
0x1a: {  	s6 =	sor.u32 $0x100, s0  }
0x1b: {  	[tilespmem:s12], [sflag:$0x1] =	stream.indirect.gather [hbm4b:s2+s9], $0x20, s6, s9, $0xb8;
	[tilespmem:$0x14C80] =	vst v63  }
0x1c: {  	s6 =	sor.u32 $0x180, s0  }
0x1d: {  	[tilespmem:s13], [sflag:$0x1] =	stream.indirect.gather [hbm4b:s2+s9], $0x20, s6, s9, $0xb8;
	[tilespmem:$0x14C80] =	vst v63  }
0x1e: {  	s6 =	sadd.s32 $0x200, s0  }
0x1f: {  	[tilespmem:s14], [sflag:$0x1] =	stream.indirect.gather [hbm4b:s2+s9], $0x20, s6, s9, $0xb8;
	[tilespmem:$0x14C80] =	vst v63  }
0x20: {  	s6 =	sadd.s32 $0x280, s0  }
0x21: {  	[tilespmem:s15], [sflag:$0x1] =	stream.indirect.gather [hbm4b:s2+s9], $0x20, s6, s9, $0xb8;
	[tilespmem:$0x14C80] =	vst v63  }
0x22: {  	s6 =	sadd.s32 $0x300, s0  }
0x23: {  	[tilespmem:s16], [sflag:$0x1] =	stream.indirect.gather [hbm4b:s2+s9], $0x20, s6, s9, $0xb8;
	[tilespmem:$0x14C80] =	vst v63  }
0x24: {  	s6 =	sadd.s32 $0x380, s0  }
0x25: {  	[tilespmem:s17], [sflag:$0x1] =	stream.indirect.gather [hbm4b:s2+s9], $0x20, s6, s9, $0xb8;
	[tilespmem:$0x14C80] =	vst v63  }
0x26: {  	s6 =	sadd.s32 $0x400, s0  }
0x27: {  	[tilespmem:s18], [sflag:$0x1] =	stream.indirect.gather [hbm4b:s2+s9], $0x20, s6, s9, $0xb8;
	[tilespmem:$0x14C80] =	vst v63  }
0x28: {  	s6 =	sadd.s32 $0x480, s0  }
0x29: {  	[tilespmem:s19], [sflag:$0x1] =	stream.indirect.gather [hbm4b:s2+s9], $0x20, s6, s9, $0xb8;
	[tilespmem:$0x14C80] =	vst v63  }
0x2a: {  	s6 =	sadd.s32 $0x500, s0  }
0x2b: {  	[tilespmem:s20], [sflag:$0x1] =	stream.indirect.gather [hbm4b:s2+s9], $0x20, s6, s9, $0xb8;
	[tilespmem:$0x14C80] =	vst v63  }
0x2c: {  	s6 =	sadd.s32 $0x580, s0  }
0x2d: {  	[tilespmem:s21], [sflag:$0x1] =	stream.indirect.gather [hbm4b:s2+s9], $0x20, s6, s9, $0xb8;
	[tilespmem:$0x14C80] =	vst v63  }
0x2e: {  	s6 =	sadd.s32 $0x600, s0  }
0x2f: {  	[tilespmem:s22], [sflag:$0x1] =	stream.indirect.gather [hbm4b:s2+s9], $0x20, s6, s9, $0xb8;
	[tilespmem:$0x14C80] =	vst v63  }
0x30: {  	s6 =	sadd.s32 $0x680, s0  }
0x31: {  	[tilespmem:s23], [sflag:$0x1] =	stream.indirect.gather [hbm4b:s2+s9], $0x20, s6, s9, $0xb8;
	[tilespmem:$0x14C80] =	vst v63  }
0x32: {  	s6 =	sadd.s32 $0x700, s0  }
0x33: {  	[tilespmem:s24], [sflag:$0x1] =	stream.indirect.gather [hbm4b:s2+s9], $0x20, s6, s9, $0xb8;
	[tilespmem:$0x14C80] =	vst v63  }
0x34: {  	s6 =	sadd.s32 $0x780, s0  }
0x35: {  	[tilespmem:s25], [sflag:$0x1] =	stream.indirect.gather [hbm4b:s2+s9], $0x20, s6, s9, $0xb8;
	[tilespmem:$0x14C80] =	vst v63  }
0x36: {  	s6 =	sadd.s32 $0x800, s0  }
0x37: {  	[tilespmem:s26], [sflag:$0x1] =	stream.indirect.gather [hbm4b:s2+s9], $0x20, s6, s9, $0xb8;
	[tilespmem:$0x14C80] =	vst v63  }
0x38: {  	s6 =	sadd.s32 $0x880, s0  }
0x39: {  	[tilespmem:s28], [sflag:$0x1] =	stream.indirect.gather [hbm4b:s2+s9], $0x20, s6, s9, $0xb8;
	[tilespmem:$0x14C80] =	vst v63  }
0x3a: {  	s6 =	sadd.s32 $0x900, s0  }
0x3b: {  	[tilespmem:s29], [sflag:$0x1] =	stream.indirect.gather [hbm4b:s2+s9], $0x20, s6, s9, $0xb8;
	[tilespmem:$0x14C80] =	vst v63  }
0x3c: {  	s0 =	sadd.s32 $0x980, s0  }
0x3d: {  	[tilespmem:s30], [sflag:$0x1] =	stream.indirect.gather [hbm4b:s2+s9], $0x20, s0, s9, $0xb8;
	[tilespmem:$0x14C80] =	vst v63  }
0x3e: {  	s0 =	simm.s32 $0x1  }
0x3f: {  	_ =	swait.ge [sflag:s0], $0xFA0  }
0x40: {  	[sflag:s0] =	ssyncset.done $0x0  }
0x41: {  	[sflag:s0] =	ssyncadd.s32 $0xFFFFF060  }
0x42: {  	_ =	swait.ge [sflag:s0], $0xFA0  }
0x43: {  	[sflag:s0] =	ssyncset.done $0x0  }
0x44: {  	[sflag:s0] =	ssyncadd.s32 $0xFFFFF060  }
0x45: {  	_ =	swait.ge [sflag:s0], $0xFA0  }
0x46: {  	[sflag:s0] =	ssyncset.done $0x0  }
0x47: {  	[sflag:s0] =	ssyncadd.s32 $0xFFFFF060  }
0x48: {  	_ =	swait.ge [sflag:s0], $0xFA0  }
0x49: {  	[sflag:s0] =	ssyncset.done $0x0  }
0x4a: {  	[sflag:s0] =	ssyncadd.s32 $0xFFFFF060  }
0x4b: {  	_ =	swait.ge [sflag:s0], $0xFA0  }
0x4c: {  	[sflag:s0] =	ssyncset.done $0x0  }
0x4d: {  	[sflag:s0] =	ssyncadd.s32 $0xFFFFF060  }
0x4e: {  	_ =	swait.ge [sflag:s0], $0xFA0  }
0x4f: {  	[sflag:s0] =	ssyncset.done $0x0  }
0x50: {  	[sflag:s0] =	ssyncadd.s32 $0xFFFFF060  }
0x51: {  	_ =	swait.ge [sflag:s0], $0xFA0  }
0x52: {  	[sflag:s0] =	ssyncset.done $0x0  }
0x53: {  	[sflag:s0] =	ssyncadd.s32 $0xFFFFF060  }
0x54: {  	_ =	swait.ge [sflag:s0], $0xFA0  }
0x55: {  	[sflag:s0] =	ssyncset.done $0x0  }
0x56: {  	[sflag:s0] =	ssyncadd.s32 $0xFFFFF060  }
0x57: {  	_ =	swait.ge [sflag:s0], $0xFA0  }
0x58: {  	[sflag:s0] =	ssyncset.done $0x0  }
0x59: {  	[sflag:s0] =	ssyncadd.s32 $0xFFFFF060  }
0x5a: {  	_ =	swait.ge [sflag:s0], $0xFA0  }
0x5b: {  	[sflag:s0] =	ssyncset.done $0x0  }
0x5c: {  	[sflag:s0] =	ssyncadd.s32 $0xFFFFF060  }
0x5d: {  	_ =	swait.ge [sflag:s0], $0xFA0  }
0x5e: {  	[sflag:s0] =	ssyncset.done $0x0  }
0x5f: {  	[sflag:s0] =	ssyncadd.s32 $0xFFFFF060  }
0x60: {  	_ =	swait.ge [sflag:s0], $0xFA0  }
0x61: {  	[sflag:s0] =	ssyncset.done $0x0  }
0x62: {  	[sflag:s0] =	ssyncadd.s32 $0xFFFFF060  }
0x63: {  	_ =	swait.ge [sflag:s0], $0xFA0  }
0x64: {  	[sflag:s0] =	ssyncset.done $0x0  }
0x65: {  	[sflag:s0] =	ssyncadd.s32 $0xFFFFF060  }
0x66: {  	_ =	swait.ge [sflag:s0], $0xFA0  }
0x67: {  	[sflag:s0] =	ssyncset.done $0x0  }
0x68: {  	[sflag:s0] =	ssyncadd.s32 $0xFFFFF060  }
0x69: {  	_ =	swait.ge [sflag:s0], $0xFA0  }
0x6a: {  	[sflag:s0] =	ssyncset.done $0x0  }
0x6b: {  	[sflag:s0] =	ssyncadd.s32 $0xFFFFF060  }
0x6c: {  	_ =	swait.ge [sflag:s0], $0xFA0  }
0x6d: {  	[sflag:s0] =	ssyncset.done $0x0  }
0x6e: {  	[sflag:s0] =	ssyncadd.s32 $0xFFFFF060  }
0x6f: {  	_ =	swait.ge [sflag:s0], $0xFA0  }
0x70: {  	[sflag:s0] =	ssyncset.done $0x0  }
0x71: {  	[sflag:s0] =	ssyncadd.s32 $0xFFFFF060  }
0x72: {  	_ =	swait.ge [sflag:s0], $0xFA0  }
0x73: {  	[sflag:s0] =	ssyncset.done $0x0  }
0x74: {  	[sflag:s0] =	ssyncadd.s32 $0xFFFFF060  }
0x75: {  	_ =	swait.ge [sflag:s0], $0xFA0  }
0x76: {  	s6 =	smul.u32 $0x9C4, s1;
	[sflag:s0] =	ssyncset.done $0x0  }
0x77: {  	[sflag:s0] =	ssyncadd.s32 $0xFFFFF060  }
0x78: {  	s1 =	sadd.s32 s5, s6;
	_ =	swait.ge [sflag:s0], $0xFA0  }
0x79: {  	p1 =	por p0, p0;
	s1 =	sshll.u32 s1, $0x2;
	[sflag:s0] =	ssyncset.done $0x0  }
.Ltmp0:
0x7a: {  	s6 =	sadd.s32 s4, s1;
	[sflag:s0] =	ssyncadd.s32 $0xFFFFF060;
	(pc) =	sbr.rel @p1 .LBB2_2-.Ltmp0, $4  }
0x7b: {  	[hbm4b:s6+s3] =	stream.linear.scatter [tilespmem:s10], [sflag:$0x2], $0x13880, $0x38;
	[tilespmem:$0x14C80] =	vst v63  }
0x7c: {  	_ =	swait.ge [sflag:s8], $0x13880  }
0x7d: {  	[sflag:s8] =	ssyncset.done $0x0  }
0x7e: {  	p0 =	por $0x0, $0x0;
	s1 =	simm.s32 $0x1;
	[sflag:s8] =	ssyncadd.s32 $0xFFFEC780  }
0x7f: {  	s31 =	sadd.s32 $0x1, s31  }
0x80: {  	p0 =	sne.s32 s31, s7  }
.Ltmp1:
0x81: {  	_ = 	snop;
	(pc) =	sbr.rel @p0 .LBB2_1-.Ltmp1, $1  }
0x82: {  	_ =	sdelay $0x3  }
0x83: {  	_ =	sfence.sel $0x180000  }
0x84: {  	[bflag:$0x0] =	sbarrier.arrive $0xFFFF  }
0x85: {  	_ =	strace $0x90000047  }
0x86: {  	s0 =	stileid.u32;
	[bflag:$0x2] =	sbarrier.arrive $0xFFFF  }
0x87: {  	p0 =	sne.s32 s0, $0x0;
	s0 =	rddreg [dreg:$0x2]  }
0x88: {  	s0 =	sadd.s32 @!p0 $0x100000, s0  }
0x89: {  	[sflag:s0] =	ssyncadd.tile.s32 @!p0 $0x1;
	_ =	shalt  }
.Lfunc_end2:
_tile_overlayer_lowered:
.L_overlay_start_2:
0x8a: {  	(tag) =	ssettag $0x2  }
0x8b: {  	s0 =	rddreg [dreg:$0x0];
	s2 =	stileid.u32  }
0x8c: {  	s1 =	rddreg [dreg:$0x1];
	p0 =	sne.s32 s2, $0x0  }
0x8d: {  	s3 =	rddreg [dreg:$0x2];
	[bflag:$0x3] =	sbarrier.arrive $0xFFFF;
	s2 =	simm.s32 @!p0 $0x1C02  }
0x8e: {  	[timem:s3], [sflag:s2] =	dma.local @!p0 [hbm:s0], s1  }
0x8f: {  	s0 =	simm.s32 @!p0 $0x2  }
0x90: {  	_ =	swait.ge @!p0 [sflag:s0], s1  }
0x91: {  	s1 =	ssub.s32 @!p0 $0x0, s1;
	[sflag:s0] =	ssyncset.done @!p0 $0x0  }
0x92: {  	[sflag:s0] =	ssyncadd.s32 @!p0 s1  }
0x93: {  	[bflag:$0x3] =	sbarrier.arrive $0xFFFF  }
0x94: {  	_ =	shalt  }

// kernel: kernel.9.cloned.1.call-start
scs
__scs_entry_jumppad:
0x0: {  	(pc) =	sbr.rel $0x88, $3  }
0x1: {  	(tag) =	ssettag $0x0;
	lr =	simm.s32 $0x1  }
0x2: {  	[smem:$0x3F98] =	sst lr;
	_ =	strace $0xD0000000  }
0x3: {  	_ = 	snop  }
0x4: {  	_ = 	snop  }
0x5: {  	_ = 	snop  }
0x6: {  	_ = 	snop  }
0x7: {  	_ = 	snop  }
__scs_overlays_trampoline_lowered:
0x8: {  	[smem:$0x3FA7] =	sst s0  }
0x9: {  	[smem:$0x3FA8] =	sst s1  }
0xa: {  	[smem:$0x3FA9] =	sst s2  }
0xb: {  	[smem:$0x3FAA] =	sst s3  }
0xc: {  	[smem:$0x3FAB] =	sst s4  }
0xd: {  	[smem:$0x3FAC] =	sst s5  }
0xe: {  	[smem:$0x3FAD] =	sst s6  }
0xf: {  	[smem:$0x3FAE] =	sst s7  }
0x10: {  	[smem:$0x3FAF] =	sst s8  }
0x11: {  	[smem:$0x3FB0] =	sst s9;
	s0 =	simm.s32 @!p0 $0x0  }
0x12: {  	s1 =	sld [smem:$0x3F96];
	s0 =	simm.s32 @p0 $0x1  }
0x13: {  	[smem:$0x3FB1] =	sst s0;
	s0 =	simm.s32 @!p1 $0x0  }
0x14: {  	s2 =	sld [smem:$0x3F95];
	s0 =	simm.s32 @p1 $0x1  }
0x15: {  	[smem:$0x3FB2] =	sst s0;
	s0 =	simm.s32 @!p2 $0x0  }
0x16: {  	s3 =	sld [smem:$0x3FDB];
	s0 =	simm.s32 @p2 $0x1  }
0x17: {  	s4 =	simm.s32 $0x1BF5;
	[smem:$0x3FB4] =	sst s0  }
0x18: {  	s0 =	sld [smem:$0x3F97];
	_ =	swait.ge [sflag:s4], $0x0  }
0x19: {  	s7 =	sld [smem:$0x3F98]  }
0x1a: {  	s8 =	sadd.s32 $0xFFFFE003, lr  }
0x1b: {  	s9 =	sadd.s32 $0xFFFFFEF7, lr;
	s5 =	simm.s32 $0xFFFFFFFF;
	p2 =	slt.u32 s8, $0xFFFFF086  }
0x1c: {  	p1 =	slt.u32 s9, $0xF7A;
	s5 =	simm.s32 @!p2 $0x0  }
0x1d: {  	s5 =	simm.s32 @p1 $0x1;
	p0 =	seq.s32 s7, s2  }
0x1e: {  	s7 =	smul.u32 @!p0 $0xF7A, s2;
	p2 =	seq.s32 @!p0 s5, $0x0  }
0x1f: {  	s9 =	smul.u32 $0xF7A, s1;
	s8 =	simm.s32 @!p0 $0x1BF5;
	p2 =	por !p2, p0  }
0x20: {  	[sflag:s8] =	ssyncset.s32 @!p0 $0xFFFFF086;
	s6 =	sadd.s32 @!p0 s3, s7;
	s7 =	simm.s32 @!p0 $0x108  }
0x21: {  	s3 =	sadd.s32 s3, s9;
	s6 =	sadd.s32 @!p0 $0x88, s6;
	s7 =	simm.s32 @p2 $0x1082  }
0x22: {  	[simem:s7], [sflag:s8] =	dma.local @!p0 [hbm:s6], $0xF7A  }
0x23: {  	s9 =	sor.u32 $0xD0000000, s2;
	s6 =	simm.s32 $0x108;
	_ =	swait.ge @!p0 [sflag:s8], $0x0  }
0x24: {  	s3 =	sadd.s32 $0x88, s3;
	s6 =	simm.s32 @!p1 $0x1082;
	[sflag:s4] =	ssyncset.s32 $0xFFFFF086  }
0x25: {  	[simem:s6], [sflag:s4] =	dma.local [hbm:s3], $0xF7A  }
0x26: {  	[smem:$0x3F98] =	sst s1;
	(tag) =	ssettag s2;
	_ =	strace s9  }
0x27: {  	s1 =	sld [smem:$0x3FA8]  }
0x28: {  	s2 =	sld [smem:$0x3FA9]  }
0x29: {  	s4 =	sld [smem:$0x3FAB]  }
0x2a: {  	p0 =	seq.s32 s5, $0x0;
	s5 =	sld [smem:$0x3FAC]  }
0x2b: {  	s6 =	sld [smem:$0x3FAD]  }
0x2c: {  	s7 =	sld [smem:$0x3FAE]  }
0x2d: {  	s3 =	simm.s32 $0x108;
	s8 =	sld [smem:$0x3FAF]  }
0x2e: {  	s3 =	simm.s32 @!p0 $0x1082;
	s9 =	sld [smem:$0x3FB0]  }
0x2f: {  	lr =	sadd.s32 s0, s3;
	s0 =	sld [smem:$0x3FA7]  }
0x30: {  	s3 =	sld [smem:$0x3FAA]  }
0x31: {  	[smem:$0x3FB3] =	sst s10  }
0x32: {  	s10 =	sld [smem:$0x3FB1];
	_ =	sdelay $0x3  }
0x33: {  	p0 =	seq.s32 s10, $0x1;
	s10 =	sld [smem:$0x3FB3];
	_ =	sdelay $0x3  }
0x34: {  	[smem:$0x3FB3] =	sst s10  }
0x35: {  	s10 =	sld [smem:$0x3FB2];
	_ =	sdelay $0x3  }
0x36: {  	p1 =	seq.s32 s10, $0x1;
	s10 =	sld [smem:$0x3FB3];
	_ =	sdelay $0x3  }
0x37: {  	[smem:$0x3FB3] =	sst s10  }
0x38: {  	s10 =	sld [smem:$0x3FB4]  }
0x39: {  	_ = 	snop;
	(pc) =	sbr.ind lr, $3  }
0x3a: {  	_ = 	snop  }
0x3b: {  	_ = 	snop  }
0x3c: {  	p2 =	seq.s32 s10, $0x1;
	s10 =	sld [smem:$0x3FB3]  }
0x3d: {  	_ =	shalt  }
0x3e: {  	_ =	shalt  }
0x3f: {  	_ =	shalt  }
0x40: {  	_ =	shalt  }
0x41: {  	_ =	shalt  }
0x42: {  	_ =	shalt  }
0x43: {  	_ =	shalt  }
0x44: {  	_ =	shalt  }
0x45: {  	_ =	shalt  }
0x46: {  	_ =	shalt  }
0x47: {  	_ =	shalt  }
0x48: {  	_ =	shalt  }
0x49: {  	_ =	shalt  }
0x4a: {  	_ =	shalt  }
0x4b: {  	_ =	shalt  }
0x4c: {  	_ =	shalt  }
0x4d: {  	_ =	shalt  }
0x4e: {  	_ =	shalt  }
0x4f: {  	_ =	shalt  }
0x50: {  	_ =	shalt  }
0x51: {  	_ =	shalt  }
0x52: {  	_ =	shalt  }
0x53: {  	_ =	shalt  }
0x54: {  	_ =	shalt  }
0x55: {  	_ =	shalt  }
0x56: {  	_ =	shalt  }
0x57: {  	_ =	shalt  }
0x58: {  	_ =	shalt  }
0x59: {  	_ =	shalt  }
0x5a: {  	_ =	shalt  }
0x5b: {  	_ =	shalt  }
0x5c: {  	_ =	shalt  }
0x5d: {  	_ =	shalt  }
0x5e: {  	_ =	shalt  }
0x5f: {  	_ =	shalt  }
0x60: {  	_ =	shalt  }
0x61: {  	_ =	shalt  }
0x62: {  	_ =	shalt  }
0x63: {  	_ =	shalt  }
0x64: {  	_ =	shalt  }
0x65: {  	_ =	shalt  }
0x66: {  	_ =	shalt  }
0x67: {  	_ =	shalt  }
0x68: {  	_ =	shalt  }
0x69: {  	_ =	shalt  }
0x6a: {  	_ =	shalt  }
0x6b: {  	_ =	shalt  }
0x6c: {  	_ =	shalt  }
0x6d: {  	_ =	shalt  }
0x6e: {  	_ =	shalt  }
0x6f: {  	_ =	shalt  }
0x70: {  	_ =	shalt  }
0x71: {  	_ =	shalt  }
0x72: {  	_ =	shalt  }
0x73: {  	_ =	shalt  }
0x74: {  	_ =	shalt  }
0x75: {  	_ =	shalt  }
0x76: {  	_ =	shalt  }
0x77: {  	_ =	shalt  }
0x78: {  	_ =	shalt  }
0x79: {  	_ =	shalt  }
0x7a: {  	_ =	shalt  }
0x7b: {  	_ =	shalt  }
0x7c: {  	_ =	shalt  }
0x7d: {  	_ =	shalt  }
0x7e: {  	_ =	shalt  }
0x7f: {  	_ =	shalt  }
0x80: {  	_ =	shalt  }
0x81: {  	_ =	shalt  }
0x82: {  	_ =	shalt  }
0x83: {  	_ =	shalt  }
0x84: {  	_ =	shalt  }
0x85: {  	_ =	shalt  }
0x86: {  	_ =	shalt  }
0x87: {  	_ =	shalt  }
.Lfunc_end0:
.L_simem_size_0:
called_computation.1_lowered:
.L_overlay_start_0:
0x88: {  	s2 =	sld [smem:$0x3FD9]  }
0x89: {  	s3 =	sld [smem:$0x3FFE];
	_ =	sdelay $0x1  }
0x8a: {  	s1 =	srdreg.scid  }
0x8b: {  	s0 =	sand.u32 $0x1, s1  }
0x8c: {  	s16 =	sshll.u32 s0, $0xA;
	s2 =	sadd.s32 s3, s2  }
0x8d: {  	s2 =	sadd.s32 s2, s16  }
0x8e: {  	[smem:$0x3FBF] =	sst s2  }
0x8f: {  	_ = 	snop  }
0x90: {  	(tm) =	ssettm $0x1  }
0x91: {  	s17 =	sld [smem:$0x3FFB];
	_ =	sdelay $0x3  }
0x92: {  	_ =	strace s17  }
0x93: {  	s2 =	sld [smem:$0x3FFC];
	_ =	sdelay $0x3  }
0x94: {  	_ =	strace s2  }
0x95: {  	s2 =	sld [smem:$0x3FFD];
	_ =	sdelay $0x3  }
0x96: {  	_ =	strace s2  }
0x97: {  	_ =	strace $0x8FFFFFFF  }
0x98: {  	s18 =	sld [smem:$0x3FDB];
	_ =	sdelay $0x1  }
0x99: {  	s19 =	simm.s32 $_scs_section_size  }
0x9a: {  	s4 =	simm.s32 $_size__tile_overlayer_lowered;
	s5 =	simm.s32 $_tile_overlayer_lowered  }
0x9b: {  	s22 =	simm.s32 $0x1BFF;
	s21 =	sshll.u32 s5, $0x1;
	s2 =	sadd.s32 s19, s18  }
0x9c: {  	s6 =	simm.s32 $0x0;
	s20 =	sshll.u32 s4, $0x1;
	s4 =	sadd.s32 s21, s2  }
0x9d: {  	[timem:s6], [sflag:s22] =	dma.local [hbm:s4], s20  }
0x9e: {  	_ =	swait.ge [sflag:s22], s20  }
0x9f: {  	s3 =	ssub.s32 $0x0, s20;
	[sflag:s22] =	ssyncset.done $0x0  }
0xa0: {  	[sflag:s22] =	ssyncadd.s32 s3;
	_ =	sdelay $0x1  }
0xa1: {  	s23 =	simm.s32 $0x1B8B  }
0xa2: {  	_ =	swait.ge [sflag:s23], $0x1  }
0xa3: {  	[sflag:s23] =	ssyncset.done $0x0  }
0xa4: {  	s25 =	simm.s32 $0x1B8E;
	s24 =	sld [smem:$0x3FFE];
	[sflag:s23] =	ssyncadd.s32 $0xFFFFFFFF  }
0xa5: {  	s26 =	simm.s32 $execute0_lowered;
	[smem:$0x3FD2] =	sst s25  }
0xa6: {  	s4 =	sshll.u32 s26, $0x1;
	_ =	strace $0x80000049;
	[dreg:$0x1] =	wrdreg $0xFFFFFFFF  }
0xa7: {  	s28 =	simm.s32 $_size_execute0_lowered;
	s2 =	sadd.s32 s2, s4;
	[dreg:$0x0] =	wrdreg $0x0  }
0xa8: {  	s4 =	sshll.u32 s28, $0x1;
	[dreg:$0x2] =	wrdreg s2  }
0xa9: {  	[dreg:$0x3] =	wrdreg s4  }
0xaa: {  	[dreg:$0x4] =	wrdreg $0xC0  }
0xab: {  	_ =	task [dreg:s6], $0x5FFFF  }
0xac: {  	[dreg:$0x1] =	wrdreg $0xFFFFFFFF  }
0xad: {  	[dreg:$0x0] =	wrdreg $0x60  }
0xae: {  	[dreg:$0x2] =	wrdreg s24  }
0xaf: {  	[dreg:$0x3] =	wrdreg $0x14C800  }
0xb0: {  	[dreg:$0x4] =	wrdreg $0x9  }
0xb1: {  	_ =	task.clear_ibuf [dreg:s6], $0x5FFFF;
	_ =	strace $0x90000049  }
0xb2: {  	s29 =	simm.s32 $0x9;
	_ =	strace $0x8000004B  }
0xb3: {  	_ =	swait.ge [sflag:s29], $0x1  }
0xb4: {  	[sflag:s29] =	ssyncadd.s32 $0xFFFFFFFF  }
0xb5: {  	_ =	strace $0x9000004B  }
0xb6: {  	_ =	sfence  }
0xb7: {  	s30 =	sld [smem:$0x0];
	_ =	sdelay $0x2  }
0xb8: {  	s31 =	sshll.u32 s1, $0xD;
	s1 =	sshrl.u32 s1, $0x2  }
0xb9: {  	s3 =	sand.u32 $0x4000, s31;
	s1 =	sadd.s32 s1, s30  }
0xba: {  	s0 =	sor.u32 s3, s0;
	s1 =	sshll.u32 s1, $0x11  }
0xbb: {  	s0 =	sor.u32 s1, s0  }
0xbc: {  	s0 =	sadd.s32 $0x8F2B, s0  }
0xbd: {  	[sflag:s0] =	ssyncadd.remote.s32 $0x1  }
0xbe: {  	_ =	sfence.sel $0xFFFF  }
0xbf: {  	[dreg:$0x0] =	wrdreg $0xFFFFFFFF;
	(pc) =	sbr.abs _section_cstart, $3  }
0xc0: {  	[dreg:$0x1] =	wrdreg $0xFFFFFFFF  }
0xc1: {  	_ =	task.clear_ibuf [dreg:s6], $0x2FFFF;
	_ =	strace $0x9FFFFFFF  }
0xc2: {  	(tm) =	ssettm $0x7FFFFFFF  }
0xc3: {  	_ =	shalt  }
tec
execute0_lowered:
.L_overlay_start_1:
0x0: {  	(tag) =	ssettag $0x1  }
0x1: {  	s0 =	srdreg.scid;
	s5 =	rddreg [dreg:$0x0]  }
0x2: {  	s10 =	stileid.u32;
	s2 =	rddreg [dreg:$0x1];
	s3 =	simm.s32 $0x0  }
0x3: {  	s12 =	simm.s32 $0x2;
	s13 =	simm.s32 $0x1400;
	s14 =	simm.s32 $0x7D  }
0x4: {  	s15 =	simm.s32 $0x23A0;
	s16 =	simm.s32 $0x3340;
	s17 =	simm.s32 $0x42E0  }
0x5: {  	s18 =	simm.s32 $0x5280;
	s19 =	simm.s32 $0x6220;
	s20 =	simm.s32 $0x71C0  }
0x6: {  	s21 =	simm.s32 $0x8160;
	s28 =	simm.s32 $0xDF20;
	s29 =	simm.s32 $0xEEC0  }
0x7: {  	s30 =	simm.s32 $0xFE60;
	s31 =	simm.s32 $0x10E00;
	s0 =	sand.u32 $0x1, s0  }
0x8: {  	s1 =	sshll.u32 s10, $0x1;
	s7 =	smul.u32 $0x5000, s10;
	[smem:$0x7FF] =	sst s3  }
0x9: {  	s4 =	sadd.s32 $0x1E00, s5;
	s23 =	sshll.u32 s10, $0x6;
	s1 =	sor.u32 s0, s1  }
0xa: {  	s8 =	smul.u32 $0x50000, s0;
	_ =	strace $0x8000004A;
	s0 =	ssub.s32 $0x2, s0  }
0xb: {  	s6 =	smul.u32 $0x280, s1;
	s9 =	sshrl.u32 s7, $0x3;
	s22 =	sshrl.u32 s0, $0x1  }
0xc: {  	s11 =	sadd.s32 s7, s2;
	s8 =	sadd.s32 s7, s8;
	s9 =	sadd.s32 s9, s5  }
0xd: {  	s0 =	ssub.s32 s0, s22;
	s7 =	sor.u32 $0x1C02, s23;
	s11 =	sshrl.u32 s11, $0x3  }
0xe: {  	s22 =	simm.s32 $0x9100;
	s23 =	simm.s32 $0xA0A0;
	s6 =	sadd.s32 s6, s5  }
0xf: {  	s8 =	sshrl.u32 s8, $0x3;
	s24 =	sadd.s32 $0xA8200, s9;
	s0 =	smax.u32 s0, $0x1  }
0x10: {  	s8 =	sadd.s32 s8, s5;
	s5 =	smul.u32 $0x1388, s1;
	[dreg:$0x3] =	wrdreg s24  }
0x11: {  	s25 =	sadd.s32 $0xA3200, s6;
	[dreg:$0x6] =	wrdreg s0;
	s24 =	simm.s32 $0xB040  }
0x12: {  	s1 =	simm.s32 $0x11DA0;
	s0 =	simm.s32 $0x12D40;
	s6 =	simm.s32 $0x13CE0  }
0x13: {  	[dreg:$0x4] =	wrdreg s25;
	s26 =	sadd.s32 $0xB2200, s8;
	s25 =	simm.s32 $0xBFE0  }
0x14: {  	s8 =	simm.s32 $0x0;
	[dreg:$0x5] =	wrdreg s26;
	s26 =	simm.s32 $0xCF80  }
.LBB2_1:
0x15: {  	s9 =	rddreg [dreg:$0x3]  }
0x16: {  	[spmem:s11], [sflag:s7] =	dma.local [hbm:s9], $0xA00  }
0x17: {  	_ =	swait.ge [sflag:s12], $0xA00  }
0x18: {  	[sflag:s12] =	ssyncset.done $0x0  }
0x19: {  	s10 =	rddreg [dreg:$0x4];
	[sflag:s12] =	ssyncadd.s32 $0xFFFFF600  }
0x1a: {  	[tilespmem:s3], [sflag:$0x2] =	stream.linear.gather [hbm4b:s10+s3], $0x1400, $0x38;
	[tilespmem:$0x19C80] =	vst v63  }
0x1b: {  	_ =	swait.ge [sflag:s12], $0x1400  }
0x1c: {  	[sflag:s12] =	ssyncset.done $0x0  }
0x1d: {  	[sflag:s12] =	ssyncadd.s32 $0xFFFFEC00  }
0x1e: {  	p0 =	por $0x1, $0x1;
	s9 =	simm.s32 $0x0;
	[bflag:$0x0] =	sbarrier.arrive $0xFFFF  }
.LBB2_2:
0x1f: {  	s10 =	smul.u32 $0x9C4, s9;
	_ =	sdelay $0x1  }
0x20: {  	s10 =	sadd.s32 s5, s10  }
0x21: {  	s10 =	sshll.u32 s10, $0x2  }
0x22: {  	s10 =	sadd.s32 s4, s10  }
0x23: {  	[tilespmem:s13], [sflag:$0x2] =	stream.linear.gather [hbm4b:s10+s3], $0x13880, $0x38;
	[tilespmem:$0x19C80] =	vst v63  }
0x24: {  	s10 =	smul.u32 $0x2800, s9;
	_ =	swait.ge [sflag:s12], $0x13880  }
0x25: {  	[sflag:s12] =	ssyncset.done $0x0  }
0x26: {  	s9 =	sshra.s32 s10, $0x2;
	[sflag:s12] =	ssyncadd.s32 $0xFFFEC780  }
0x27: {  	[spmem:s2] =	stream.indirect.scatter.add.f32 [tilespmem:s13], [sflag:$0x1], $0x20, s9, s14, $0xb8;
	[tilespmem:$0x19C80] =	vst v63  }
0x28: {  	s10 =	sor.u32 $0x80, s9  }
0x29: {  	[spmem:s2] =	stream.indirect.scatter.add.f32 [tilespmem:s15], [sflag:$0x1], $0x20, s10, s14, $0xb8;
	[tilespmem:$0x19C80] =	vst v63  }
0x2a: {  	s10 =	sor.u32 $0x100, s9  }
0x2b: {  	[spmem:s2] =	stream.indirect.scatter.add.f32 [tilespmem:s16], [sflag:$0x1], $0x20, s10, s14, $0xb8;
	[tilespmem:$0x19C80] =	vst v63  }
0x2c: {  	s10 =	sor.u32 $0x180, s9  }
0x2d: {  	[spmem:s2] =	stream.indirect.scatter.add.f32 [tilespmem:s17], [sflag:$0x1], $0x20, s10, s14, $0xb8;
	[tilespmem:$0x19C80] =	vst v63  }
0x2e: {  	s10 =	sadd.s32 $0x200, s9  }
0x2f: {  	[spmem:s2] =	stream.indirect.scatter.add.f32 [tilespmem:s18], [sflag:$0x1], $0x20, s10, s14, $0xb8;
	[tilespmem:$0x19C80] =	vst v63  }
0x30: {  	s10 =	sadd.s32 $0x280, s9  }
0x31: {  	[spmem:s2] =	stream.indirect.scatter.add.f32 [tilespmem:s19], [sflag:$0x1], $0x20, s10, s14, $0xb8;
	[tilespmem:$0x19C80] =	vst v63  }
0x32: {  	s10 =	sadd.s32 $0x300, s9  }
0x33: {  	[spmem:s2] =	stream.indirect.scatter.add.f32 [tilespmem:s20], [sflag:$0x1], $0x20, s10, s14, $0xb8;
	[tilespmem:$0x19C80] =	vst v63  }
0x34: {  	s10 =	sadd.s32 $0x380, s9  }
0x35: {  	[spmem:s2] =	stream.indirect.scatter.add.f32 [tilespmem:s21], [sflag:$0x1], $0x20, s10, s14, $0xb8;
	[tilespmem:$0x19C80] =	vst v63  }
0x36: {  	s10 =	sadd.s32 $0x400, s9  }
0x37: {  	[spmem:s2] =	stream.indirect.scatter.add.f32 [tilespmem:s22], [sflag:$0x1], $0x20, s10, s14, $0xb8;
	[tilespmem:$0x19C80] =	vst v63  }
0x38: {  	s10 =	sadd.s32 $0x480, s9  }
0x39: {  	[spmem:s2] =	stream.indirect.scatter.add.f32 [tilespmem:s23], [sflag:$0x1], $0x20, s10, s14, $0xb8;
	[tilespmem:$0x19C80] =	vst v63  }
0x3a: {  	s10 =	sadd.s32 $0x500, s9  }
0x3b: {  	[spmem:s2] =	stream.indirect.scatter.add.f32 [tilespmem:s24], [sflag:$0x1], $0x20, s10, s14, $0xb8;
	[tilespmem:$0x19C80] =	vst v63  }
0x3c: {  	s10 =	sadd.s32 $0x580, s9  }
0x3d: {  	[spmem:s2] =	stream.indirect.scatter.add.f32 [tilespmem:s25], [sflag:$0x1], $0x20, s10, s14, $0xb8;
	[tilespmem:$0x19C80] =	vst v63  }
0x3e: {  	s10 =	sadd.s32 $0x600, s9  }
0x3f: {  	[spmem:s2] =	stream.indirect.scatter.add.f32 [tilespmem:s26], [sflag:$0x1], $0x20, s10, s14, $0xb8;
	[tilespmem:$0x19C80] =	vst v63  }
0x40: {  	s10 =	sadd.s32 $0x680, s9  }
0x41: {  	[spmem:s2] =	stream.indirect.scatter.add.f32 [tilespmem:s28], [sflag:$0x1], $0x20, s10, s14, $0xb8;
	[tilespmem:$0x19C80] =	vst v63  }
0x42: {  	s10 =	sadd.s32 $0x700, s9  }
0x43: {  	[spmem:s2] =	stream.indirect.scatter.add.f32 [tilespmem:s29], [sflag:$0x1], $0x20, s10, s14, $0xb8;
	[tilespmem:$0x19C80] =	vst v63  }
0x44: {  	s10 =	sadd.s32 $0x780, s9  }
0x45: {  	[spmem:s2] =	stream.indirect.scatter.add.f32 [tilespmem:s30], [sflag:$0x1], $0x20, s10, s14, $0xb8;
	[tilespmem:$0x19C80] =	vst v63  }
0x46: {  	s10 =	sadd.s32 $0x800, s9  }
0x47: {  	[spmem:s2] =	stream.indirect.scatter.add.f32 [tilespmem:s31], [sflag:$0x1], $0x20, s10, s14, $0xb8;
	[tilespmem:$0x19C80] =	vst v63  }
0x48: {  	s10 =	sadd.s32 $0x880, s9  }
0x49: {  	[spmem:s2] =	stream.indirect.scatter.add.f32 [tilespmem:s1], [sflag:$0x1], $0x20, s10, s14, $0xb8;
	[tilespmem:$0x19C80] =	vst v63  }
0x4a: {  	s10 =	sadd.s32 $0x900, s9  }
0x4b: {  	[spmem:s2] =	stream.indirect.scatter.add.f32 [tilespmem:s0], [sflag:$0x1], $0x20, s10, s14, $0xb8;
	[tilespmem:$0x19C80] =	vst v63  }
0x4c: {  	s9 =	sadd.s32 $0x980, s9  }
0x4d: {  	[spmem:s2] =	stream.indirect.scatter.add.f32 [tilespmem:s6], [sflag:$0x1], $0x20, s9, s14, $0xb8;
	[tilespmem:$0x19C80] =	vst v63  }
0x4e: {  	s9 =	simm.s32 $0x1  }
0x4f: {  	_ =	swait.ge [sflag:s9], $0xFA0  }
0x50: {  	[sflag:s9] =	ssyncset.done $0x0  }
0x51: {  	[sflag:s9] =	ssyncadd.s32 $0xFFFFF060  }
0x52: {  	_ =	swait.ge [sflag:s9], $0xFA0  }
0x53: {  	[sflag:s9] =	ssyncset.done $0x0  }
0x54: {  	[sflag:s9] =	ssyncadd.s32 $0xFFFFF060  }
0x55: {  	_ =	swait.ge [sflag:s9], $0xFA0  }
0x56: {  	[sflag:s9] =	ssyncset.done $0x0  }
0x57: {  	[sflag:s9] =	ssyncadd.s32 $0xFFFFF060  }
0x58: {  	_ =	swait.ge [sflag:s9], $0xFA0  }
0x59: {  	[sflag:s9] =	ssyncset.done $0x0  }
0x5a: {  	[sflag:s9] =	ssyncadd.s32 $0xFFFFF060  }
0x5b: {  	_ =	swait.ge [sflag:s9], $0xFA0  }
0x5c: {  	[sflag:s9] =	ssyncset.done $0x0  }
0x5d: {  	[sflag:s9] =	ssyncadd.s32 $0xFFFFF060  }
0x5e: {  	_ =	swait.ge [sflag:s9], $0xFA0  }
0x5f: {  	[sflag:s9] =	ssyncset.done $0x0  }
0x60: {  	[sflag:s9] =	ssyncadd.s32 $0xFFFFF060  }
0x61: {  	_ =	swait.ge [sflag:s9], $0xFA0  }
0x62: {  	[sflag:s9] =	ssyncset.done $0x0  }
0x63: {  	[sflag:s9] =	ssyncadd.s32 $0xFFFFF060  }
0x64: {  	_ =	swait.ge [sflag:s9], $0xFA0  }
0x65: {  	[sflag:s9] =	ssyncset.done $0x0  }
0x66: {  	[sflag:s9] =	ssyncadd.s32 $0xFFFFF060  }
0x67: {  	_ =	swait.ge [sflag:s9], $0xFA0  }
0x68: {  	[sflag:s9] =	ssyncset.done $0x0  }
0x69: {  	[sflag:s9] =	ssyncadd.s32 $0xFFFFF060  }
0x6a: {  	_ =	swait.ge [sflag:s9], $0xFA0  }
0x6b: {  	[sflag:s9] =	ssyncset.done $0x0  }
0x6c: {  	[sflag:s9] =	ssyncadd.s32 $0xFFFFF060  }
0x6d: {  	_ =	swait.ge [sflag:s9], $0xFA0  }
0x6e: {  	[sflag:s9] =	ssyncset.done $0x0  }
0x6f: {  	[sflag:s9] =	ssyncadd.s32 $0xFFFFF060  }
0x70: {  	_ =	swait.ge [sflag:s9], $0xFA0  }
0x71: {  	[sflag:s9] =	ssyncset.done $0x0  }
0x72: {  	[sflag:s9] =	ssyncadd.s32 $0xFFFFF060  }
0x73: {  	_ =	swait.ge [sflag:s9], $0xFA0  }
0x74: {  	[sflag:s9] =	ssyncset.done $0x0  }
0x75: {  	[sflag:s9] =	ssyncadd.s32 $0xFFFFF060  }
0x76: {  	_ =	swait.ge [sflag:s9], $0xFA0  }
0x77: {  	[sflag:s9] =	ssyncset.done $0x0  }
0x78: {  	[sflag:s9] =	ssyncadd.s32 $0xFFFFF060  }
0x79: {  	_ =	swait.ge [sflag:s9], $0xFA0  }
0x7a: {  	[sflag:s9] =	ssyncset.done $0x0  }
0x7b: {  	[sflag:s9] =	ssyncadd.s32 $0xFFFFF060  }
0x7c: {  	_ =	swait.ge [sflag:s9], $0xFA0  }
0x7d: {  	[sflag:s9] =	ssyncset.done $0x0  }
0x7e: {  	[sflag:s9] =	ssyncadd.s32 $0xFFFFF060  }
0x7f: {  	_ =	swait.ge [sflag:s9], $0xFA0  }
0x80: {  	[sflag:s9] =	ssyncset.done $0x0  }
0x81: {  	[sflag:s9] =	ssyncadd.s32 $0xFFFFF060  }
0x82: {  	_ =	swait.ge [sflag:s9], $0xFA0  }
0x83: {  	[sflag:s9] =	ssyncset.done $0x0  }
0x84: {  	[sflag:s9] =	ssyncadd.s32 $0xFFFFF060  }
0x85: {  	p1 =	por p0, p0;
	_ =	swait.ge [sflag:s9], $0xFA0  }
.Ltmp0:
0x86: {  	[sflag:s9] =	ssyncset.done $0x0;
	(pc) =	sbr.rel @p1 .LBB2_2-.Ltmp0, $4  }
0x87: {  	[sflag:s9] =	ssyncadd.s32 $0xFFFFF060  }
0x88: {  	_ =	swait.ge [sflag:s9], $0xFA0  }
0x89: {  	[sflag:s9] =	ssyncset.done $0x0  }
0x8a: {  	p0 =	por $0x0, $0x0;
	[sflag:s9] =	ssyncadd.s32 $0xFFFFF060  }
0x8b: {  	[bflag:$0x0] =	sbarrier.arrive $0xFFFF  }
0x8c: {  	s9 =	rddreg [dreg:$0x5]  }
0x8d: {  	[hbm:s9], [sflag:s7] =	dma.local [spmem:s11], $0xA00  }
0x8e: {  	_ =	swait.ge [sflag:s12], $0xA00  }
0x8f: {  	s8 =	sadd.s32 $0x1, s8;
	s10 =	rddreg [dreg:$0x6]  }
0x90: {  	p0 =	sne.s32 s8, s10  }
.Ltmp1:
0x91: {  	_ = 	snop;
	(pc) =	sbr.rel @p0 .LBB2_1-.Ltmp1, $3  }
0x92: {  	_ =	sdelay $0x1  }
0x93: {  	[sflag:s12] =	ssyncset.done $0x0  }
0x94: {  	[sflag:s12] =	ssyncadd.s32 $0xFFFFF600  }
0x95: {  	_ =	sfence.sel $0x180000  }
0x96: {  	[bflag:$0x0] =	sbarrier.arrive $0xFFFF  }
0x97: {  	_ =	strace $0x9000004A  }
0x98: {  	s0 =	stileid.u32;
	[bflag:$0x2] =	sbarrier.arrive $0xFFFF  }
0x99: {  	p0 =	sne.s32 s0, $0x0;
	s0 =	rddreg [dreg:$0x2]  }
0x9a: {  	s0 =	sadd.s32 @!p0 $0x100000, s0  }
0x9b: {  	[sflag:s0] =	ssyncadd.tile.s32 @!p0 $0x1;
	_ =	shalt  }
.Lfunc_end2:
_tile_overlayer_lowered:
.L_overlay_start_2:
0x9c: {  	(tag) =	ssettag $0x2  }
0x9d: {  	s0 =	rddreg [dreg:$0x0];
	s2 =	stileid.u32  }
0x9e: {  	s1 =	rddreg [dreg:$0x1];
	p0 =	sne.s32 s2, $0x0  }
0x9f: {  	s3 =	rddreg [dreg:$0x2];
	[bflag:$0x3] =	sbarrier.arrive $0xFFFF;
	s2 =	simm.s32 @!p0 $0x1C02  }
0xa0: {  	[timem:s3], [sflag:s2] =	dma.local @!p0 [hbm:s0], s1  }
0xa1: {  	s0 =	simm.s32 @!p0 $0x2  }
0xa2: {  	_ =	swait.ge @!p0 [sflag:s0], s1  }
0xa3: {  	s1 =	ssub.s32 @!p0 $0x0, s1;
	[sflag:s0] =	ssyncset.done @!p0 $0x0  }
0xa4: {  	[sflag:s0] =	ssyncadd.s32 @!p0 s1  }
0xa5: {  	[bflag:$0x3] =	sbarrier.arrive $0xFFFF  }
0xa6: {  	_ =	shalt  }

</sc_bundles>
